<compile_context>
chip_gen: v7x
topology: tpu7x:2x2x1
jax: 0.10.2.dev20260603
libtpu: 0.0.44.dev20260713+nightly
codegen_flags: <defaults>
</compile_context>

<pallas_src>
import functools

import jax
import jax.numpy as jnp
from jax import lax
from jax.experimental import pallas as pl
from jax.experimental.pallas import tpu as pltpu
from jax.experimental.pallas import tpu_sc as plsc

BATCH = 16384
FIELDS = 26
DIM = 64
NUM_CORES = 2
NUM_SUBCORES = 16
NW = NUM_CORES * NUM_SUBCORES
TOTAL = BATCH * FIELDS
CHUNK = 128
CHUNKS = TOTAL // (NW * CHUNK)
ROWS_PER_W = CHUNKS * CHUNK
NBUF = 8
LOOKAHEAD = 4


def _make_kernel():
    mesh = plsc.VectorSubcoreMesh(core_axis_name="c", subcore_axis_name="s")

    @functools.partial(
        pl.kernel,
        mesh=mesh,
        out_type=jax.ShapeDtypeStruct((TOTAL, DIM), jnp.float32),
        scratch_types=(
            [pltpu.VMEM((ROWS_PER_W,), jnp.int32)]
            + [pltpu.VMEM((CHUNK, DIM), jnp.float32) for _ in range(NBUF)]
            + [pltpu.SemaphoreType.DMA((NBUF,)), pltpu.SemaphoreType.DMA((NBUF,))]
        ),
        compiler_params=pltpu.CompilerParams(use_tc_tiling_on_sc=False),
    )
    def body(x_hbm, w_hbm, out_hbm, idx_v, *rest):
        rows = rest[:NBUF]
        gsem, wsem = rest[NBUF], rest[NBUF + 1]
        wid = lax.axis_index("s") * NUM_CORES + lax.axis_index("c")
        base = wid * ROWS_PER_W
        pltpu.sync_copy(x_hbm.at[pl.ds(base, ROWS_PER_W)], idx_v)

        def fire_gather(c, b):
            pltpu.async_copy(
                w_hbm.at[idx_v.at[pl.ds(c * CHUNK, CHUNK)]], rows[b],
                gsem.at[b])

        def wait_gather(b):
            pltpu.make_async_copy(
                w_hbm.at[idx_v.at[pl.ds(0, CHUNK)]], rows[b],
                gsem.at[b]).wait()

        def fire_write(c, b):
            pltpu.async_copy(
                rows[b], out_hbm.at[pl.ds(base + c * CHUNK, CHUNK)],
                wsem.at[b])

        def wait_write(b):
            pltpu.make_async_copy(
                rows[b], out_hbm.at[pl.ds(0, CHUNK)], wsem.at[b]).wait()

        for b in range(LOOKAHEAD):
            fire_gather(b, b)

        for b in range(NBUF):
            wait_gather(b)
            fire_write(b, b)
            bb = (b + LOOKAHEAD) % NBUF
            if b >= NBUF - LOOKAHEAD:
                wait_write(bb)
            fire_gather(b + LOOKAHEAD, bb)

        def block(gi, carry):
            g = gi * NBUF
            for b in range(NBUF):
                c = g + b
                wait_gather(b)
                fire_write(c, b)
                bb = (b + LOOKAHEAD) % NBUF
                wait_write(bb)
                fire_gather(c + LOOKAHEAD, bb)
            return carry

        lax.fori_loop(1, CHUNKS // NBUF - 1, block, 0)

        g = CHUNKS - NBUF
        for b in range(NBUF):
            c = g + b
            wait_gather(b)
            fire_write(c, b)
            if b < LOOKAHEAD:
                bb = (b + LOOKAHEAD) % NBUF
                wait_write(bb)
                fire_gather(c + LOOKAHEAD, bb)

        for b in range(NBUF):
            wait_write(b)

    return body


_kern = _make_kernel()


def kernel(x, weight):
    xf = x.reshape(TOTAL).astype(jnp.int32)
    out = _kern(xf, weight)
    return out.reshape(BATCH, FIELDS, DIM)

# --- scband reference (transcript-rebuilt; emitter-appended) ---
"""Pipeline reference for scband-embedding-61314953118108 (READ-ONLY COPY).

The authoritative reference and input builder live on the scoring server;
editing this copy changes nothing except your own understanding.
"""

import jax, jax.numpy as jnp
import numpy as np

NUM_EMBEDDINGS = 1000000
EMBEDDING_DIM = 64
BATCH = 16384
FIELDS = 26


def setup_inputs(seed: int = 0) -> dict:
    key = jax.random.key(seed)
    k_idx, k_w = jax.random.split(key)
    x = jax.random.randint(k_idx, (BATCH, FIELDS), 0, NUM_EMBEDDINGS, dtype=jnp.int64 if jax.config.jax_enable_x64 else jnp.int32)
    weight = jax.random.normal(k_w, (NUM_EMBEDDINGS, EMBEDDING_DIM), dtype=jnp.float32) * 0.02
    return {"x": x, "weight": weight}


def reference(x, weight):
    # F.embedding(x, weight) == weight[x] (gather along axis 0)
    output = jnp.take(weight, x, axis=0)
    return output

if __name__ == "__main__":
    import jax
    _d = setup_inputs()
    print(jax.jit(kernel)(*tuple(_d.values())))

</pallas_src>

<mosaic_0001>
#map = affine_map<(d0, d1) -> (0)>
#map1 = affine_map<(d0, d1) -> (0, 0)>
module attributes {stable_mosaic.version = 14 : i64} {
  func.func @body(%arg0: i32, %arg1: i32, %arg2: memref<425984xi32, #tpu.memory_space<hbm>>, %arg3: memref<1000000x64xf32, #tpu.memory_space<hbm>>, %arg4: memref<425984x64xf32, #tpu.memory_space<hbm>>, %arg5: memref<13312xi32, #tpu.memory_space<vmem>>, %arg6: memref<128x64xf32, #tpu.memory_space<vmem>>, %arg7: memref<128x64xf32, #tpu.memory_space<vmem>>, %arg8: memref<128x64xf32, #tpu.memory_space<vmem>>, %arg9: memref<128x64xf32, #tpu.memory_space<vmem>>, %arg10: memref<128x64xf32, #tpu.memory_space<vmem>>, %arg11: memref<128x64xf32, #tpu.memory_space<vmem>>, %arg12: memref<128x64xf32, #tpu.memory_space<vmem>>, %arg13: memref<128x64xf32, #tpu.memory_space<vmem>>, %arg14: memref<8x!tpu.dma_semaphore, #tpu.memory_space<semaphore_mem>>, %arg15: memref<8x!tpu.dma_semaphore, #tpu.memory_space<semaphore_mem>>) attributes {dimension_semantics = [#tpu.dimension_semantics<core_parallel>, #tpu.dimension_semantics<subcore_parallel>], iteration_bounds = array<i64: 2, 16>, scalar_prefetch = 0 : i64, scratch_operands = 11 : i64, tpu.core_type = #tpu.core_type<sc_vector_subcore>, window_params = [{transform_indices = #map}, {transform_indices = #map1}, {transform_indices = #map1}]} {
    %mul3A = arith.constant 2 : i32
    %mul3A_0 = arith.muli %arg1, %mul3A : i32
    %add3A = arith.addi %mul3A_0, %arg0 : i32
    %mul3A_1 = arith.constant 13312 : i32
    %mul3A_2 = arith.muli %add3A, %mul3A_1 : i32
    "tpu.region"() ({
      %run_scoped3A = tpu.sem_alloc : memref<!tpu.dma_semaphore, #tpu.memory_space<semaphore_mem>>
      %dma_start3A_550 = tpu.memref_slice %arg2[%mul3A_2] : memref<425984xi32, #tpu.memory_space<hbm>> -> memref<13312xi32, #tpu.memory_space<hbm>>
      %dma_start3A_551 = tpu.memref_slice %arg2[%mul3A_2] : memref<425984xi32, #tpu.memory_space<hbm>> -> memref<13312xi32, #tpu.memory_space<hbm>>
      tpu.enqueue_dma source(%dma_start3A_551 : memref<13312xi32, #tpu.memory_space<hbm>>) target(%arg5 : memref<13312xi32, #tpu.memory_space<vmem>>) target_semaphore(%run_scoped3A : memref<!tpu.dma_semaphore, #tpu.memory_space<semaphore_mem>>)
      %dma_wait3A_552 = tpu.memref_slice %arg2[%mul3A_2] : memref<425984xi32, #tpu.memory_space<hbm>> -> memref<13312xi32, #tpu.memory_space<hbm>>
      %dma_wait3A_553 = tpu.memref_slice %arg2[%mul3A_2] : memref<425984xi32, #tpu.memory_space<hbm>> -> memref<13312xi32, #tpu.memory_space<hbm>>
      tpu.wait_dma2 semaphore(%run_scoped3A : memref<!tpu.dma_semaphore, #tpu.memory_space<semaphore_mem>>) src(%dma_wait3A_553 : memref<13312xi32, #tpu.memory_space<hbm>>) dst(%arg5 : memref<13312xi32, #tpu.memory_space<vmem>>)
      tpu.yield
    }) : () -> ()
    %dma_start3A = arith.constant 0 : i32
    %dma_start3A_3 = arith.constant 0 : i32
    %dma_start3A_4 = tpu.memref_slice %arg5[%dma_start3A_3] : memref<13312xi32, #tpu.memory_space<vmem>> -> memref<128xi32, #tpu.memory_space<vmem>>
    %dma_start3A_5 = arith.constant 0 : i32
    %dma_start3A_6 = arith.constant 0 : i32
    %dma_start3A_7 = tpu.memref_slice %arg3[%dma_start3A_5, %dma_start3A_6] : memref<1000000x64xf32, #tpu.memory_space<hbm>> -> memref<1000000x64xf32, #tpu.memory_space<hbm>>
    %dma_start3A_8 = tpu.memref_slice %arg14[%dma_start3A] : memref<8x!tpu.dma_semaphore, #tpu.memory_space<semaphore_mem>> -> memref<1x!tpu.dma_semaphore, #tpu.memory_space<semaphore_mem>>
    %dma_start3A_9 = tpu.memref_squeeze %dma_start3A_8 : memref<1x!tpu.dma_semaphore, #tpu.memory_space<semaphore_mem>> -> memref<!tpu.dma_semaphore, #tpu.memory_space<semaphore_mem>>
    tpu.enqueue_indirect_dma source(%dma_start3A_7 : memref<1000000x64xf32, #tpu.memory_space<hbm>>) target(%arg6 : memref<128x64xf32, #tpu.memory_space<vmem>>) offsets(%dma_start3A_4 : memref<128xi32, #tpu.memory_space<vmem>>) semaphore(%dma_start3A_9 : memref<!tpu.dma_semaphore, #tpu.memory_space<semaphore_mem>>)
    %dma_start3A_10 = arith.constant 1 : i32
    %dma_start3A_11 = arith.constant 128 : i32
    %dma_start3A_12 = tpu.memref_slice %arg5[%dma_start3A_11] : memref<13312xi32, #tpu.memory_space<vmem>> -> memref<128xi32, #tpu.memory_space<vmem>>
    %dma_start3A_13 = arith.constant 0 : i32
    %dma_start3A_14 = arith.constant 0 : i32
    %dma_start3A_15 = tpu.memref_slice %arg3[%dma_start3A_13, %dma_start3A_14] : memref<1000000x64xf32, #tpu.memory_space<hbm>> -> memref<1000000x64xf32, #tpu.memory_space<hbm>>
    %dma_start3A_16 = tpu.memref_slice %arg14[%dma_start3A_10] : memref<8x!tpu.dma_semaphore, #tpu.memory_space<semaphore_mem>> -> memref<1x!tpu.dma_semaphore, #tpu.memory_space<semaphore_mem>>
    %dma_start3A_17 = tpu.memref_squeeze %dma_start3A_16 : memref<1x!tpu.dma_semaphore, #tpu.memory_space<semaphore_mem>> -> memref<!tpu.dma_semaphore, #tpu.memory_space<semaphore_mem>>
    tpu.enqueue_indirect_dma source(%dma_start3A_15 : memref<1000000x64xf32, #tpu.memory_space<hbm>>) target(%arg7 : memref<128x64xf32, #tpu.memory_space<vmem>>) offsets(%dma_start3A_12 : memref<128xi32, #tpu.memory_space<vmem>>) semaphore(%dma_start3A_17 : memref<!tpu.dma_semaphore, #tpu.memory_space<semaphore_mem>>)
    %dma_start3A_18 = arith.constant 2 : i32
    %dma_start3A_19 = arith.constant 256 : i32
    %dma_start3A_20 = tpu.memref_slice %arg5[%dma_start3A_19] : memref<13312xi32, #tpu.memory_space<vmem>> -> memref<128xi32, #tpu.memory_space<vmem>>
    %dma_start3A_21 = arith.constant 0 : i32
    %dma_start3A_22 = arith.constant 0 : i32
    %dma_start3A_23 = tpu.memref_slice %arg3[%dma_start3A_21, %dma_start3A_22] : memref<1000000x64xf32, #tpu.memory_space<hbm>> -> memref<1000000x64xf32, #tpu.memory_space<hbm>>
    %dma_start3A_24 = tpu.memref_slice %arg14[%dma_start3A_18] : memref<8x!tpu.dma_semaphore, #tpu.memory_space<semaphore_mem>> -> memref<1x!tpu.dma_semaphore, #tpu.memory_space<semaphore_mem>>
    %dma_start3A_25 = tpu.memref_squeeze %dma_start3A_24 : memref<1x!tpu.dma_semaphore, #tpu.memory_space<semaphore_mem>> -> memref<!tpu.dma_semaphore, #tpu.memory_space<semaphore_mem>>
    tpu.enqueue_indirect_dma source(%dma_start3A_23 : memref<1000000x64xf32, #tpu.memory_space<hbm>>) target(%arg8 : memref<128x64xf32, #tpu.memory_space<vmem>>) offsets(%dma_start3A_20 : memref<128xi32, #tpu.memory_space<vmem>>) semaphore(%dma_start3A_25 : memref<!tpu.dma_semaphore, #tpu.memory_space<semaphore_mem>>)
    %dma_start3A_26 = arith.constant 3 : i32
    %dma_start3A_27 = arith.constant 384 : i32
    %dma_start3A_28 = tpu.memref_slice %arg5[%dma_start3A_27] : memref<13312xi32, #tpu.memory_space<vmem>> -> memref<128xi32, #tpu.memory_space<vmem>>
    %dma_start3A_29 = arith.constant 0 : i32
    %dma_start3A_30 = arith.constant 0 : i32
    %dma_start3A_31 = tpu.memref_slice %arg3[%dma_start3A_29, %dma_start3A_30] : memref<1000000x64xf32, #tpu.memory_space<hbm>> -> memref<1000000x64xf32, #tpu.memory_space<hbm>>
    %dma_start3A_32 = tpu.memref_slice %arg14[%dma_start3A_26] : memref<8x!tpu.dma_semaphore, #tpu.memory_space<semaphore_mem>> -> memref<1x!tpu.dma_semaphore, #tpu.memory_space<semaphore_mem>>
    %dma_start3A_33 = tpu.memref_squeeze %dma_start3A_32 : memref<1x!tpu.dma_semaphore, #tpu.memory_space<semaphore_mem>> -> memref<!tpu.dma_semaphore, #tpu.memory_space<semaphore_mem>>
    tpu.enqueue_indirect_dma source(%dma_start3A_31 : memref<1000000x64xf32, #tpu.memory_space<hbm>>) target(%arg9 : memref<128x64xf32, #tpu.memory_space<vmem>>) offsets(%dma_start3A_28 : memref<128xi32, #tpu.memory_space<vmem>>) semaphore(%dma_start3A_33 : memref<!tpu.dma_semaphore, #tpu.memory_space<semaphore_mem>>)
    %dma_wait3A = arith.constant 0 : i32
    %dma_wait3A_34 = arith.constant 0 : i32
    %dma_wait3A_35 = tpu.memref_slice %arg5[%dma_wait3A_34] : memref<13312xi32, #tpu.memory_space<vmem>> -> memref<128xi32, #tpu.memory_space<vmem>>
    %dma_wait3A_36 = arith.constant 0 : i32
    %dma_wait3A_37 = arith.constant 0 : i32
    %dma_wait3A_38 = tpu.memref_slice %arg3[%dma_wait3A_36, %dma_wait3A_37] : memref<1000000x64xf32, #tpu.memory_space<hbm>> -> memref<1000000x64xf32, #tpu.memory_space<hbm>>
    %dma_wait3A_39 = tpu.memref_slice %arg14[%dma_wait3A] : memref<8x!tpu.dma_semaphore, #tpu.memory_space<semaphore_mem>> -> memref<1x!tpu.dma_semaphore, #tpu.memory_space<semaphore_mem>>
    %dma_wait3A_40 = tpu.memref_squeeze %dma_wait3A_39 : memref<1x!tpu.dma_semaphore, #tpu.memory_space<semaphore_mem>> -> memref<!tpu.dma_semaphore, #tpu.memory_space<semaphore_mem>>
    tpu.wait_indirect_dma semaphore(%dma_wait3A_40 : memref<!tpu.dma_semaphore, #tpu.memory_space<semaphore_mem>>) src(%dma_wait3A_38 : memref<1000000x64xf32, #tpu.memory_space<hbm>>) dst(%arg6 : memref<128x64xf32, #tpu.memory_space<vmem>>)
    %add3A_41 = arith.constant 0 : i32
    %add3A_42 = arith.addi %mul3A_2, %add3A_41 : i32
    %dma_start3A_43 = arith.constant 0 : i32
    %dma_start3A_44 = arith.constant 0 : i32
    %dma_start3A_45 = tpu.memref_slice %arg4[%add3A_42, %dma_start3A_44] : memref<425984x64xf32, #tpu.memory_space<hbm>> -> memref<128x64xf32, #tpu.memory_space<hbm>>
    %dma_start3A_46 = tpu.memref_slice %arg15[%dma_start3A_43] : memref<8x!tpu.dma_semaphore, #tpu.memory_space<semaphore_mem>> -> memref<1x!tpu.dma_semaphore, #tpu.memory_space<semaphore_mem>>
    %dma_start3A_47 = tpu.memref_squeeze %dma_start3A_46 : memref<1x!tpu.dma_semaphore, #tpu.memory_space<semaphore_mem>> -> memref<!tpu.dma_semaphore, #tpu.memory_space<semaphore_mem>>
    %dma_start3A_48 = arith.constant 0 : i32
    %dma_start3A_49 = tpu.memref_slice %arg4[%add3A_42, %dma_start3A_48] : memref<425984x64xf32, #tpu.memory_space<hbm>> -> memref<128x64xf32, #tpu.memory_space<hbm>>
    tpu.enqueue_dma source(%arg6 : memref<128x64xf32, #tpu.memory_space<vmem>>) target(%dma_start3A_49 : memref<128x64xf32, #tpu.memory_space<hbm>>) target_semaphore(%dma_start3A_47 : memref<!tpu.dma_semaphore, #tpu.memory_space<semaphore_mem>>)
    %dma_start3A_50 = arith.constant 4 : i32
    %dma_start3A_51 = arith.constant 512 : i32
    %dma_start3A_52 = tpu.memref_slice %arg5[%dma_start3A_51] : memref<13312xi32, #tpu.memory_space<vmem>> -> memref<128xi32, #tpu.memory_space<vmem>>
    %dma_start3A_53 = arith.constant 0 : i32
    %dma_start3A_54 = arith.constant 0 : i32
    %dma_start3A_55 = tpu.memref_slice %arg3[%dma_start3A_53, %dma_start3A_54] : memref<1000000x64xf32, #tpu.memory_space<hbm>> -> memref<1000000x64xf32, #tpu.memory_space<hbm>>
    %dma_start3A_56 = tpu.memref_slice %arg14[%dma_start3A_50] : memref<8x!tpu.dma_semaphore, #tpu.memory_space<semaphore_mem>> -> memref<1x!tpu.dma_semaphore, #tpu.memory_space<semaphore_mem>>
    %dma_start3A_57 = tpu.memref_squeeze %dma_start3A_56 : memref<1x!tpu.dma_semaphore, #tpu.memory_space<semaphore_mem>> -> memref<!tpu.dma_semaphore, #tpu.memory_space<semaphore_mem>>
    tpu.enqueue_indirect_dma source(%dma_start3A_55 : memref<1000000x64xf32, #tpu.memory_space<hbm>>) target(%arg10 : memref<128x64xf32, #tpu.memory_space<vmem>>) offsets(%dma_start3A_52 : memref<128xi32, #tpu.memory_space<vmem>>) semaphore(%dma_start3A_57 : memref<!tpu.dma_semaphore, #tpu.memory_space<semaphore_mem>>)
    %dma_wait3A_58 = arith.constant 1 : i32
    %dma_wait3A_59 = arith.constant 0 : i32
    %dma_wait3A_60 = tpu.memref_slice %arg5[%dma_wait3A_59] : memref<13312xi32, #tpu.memory_space<vmem>> -> memref<128xi32, #tpu.memory_space<vmem>>
    %dma_wait3A_61 = arith.constant 0 : i32
    %dma_wait3A_62 = arith.constant 0 : i32
    %dma_wait3A_63 = tpu.memref_slice %arg3[%dma_wait3A_61, %dma_wait3A_62] : memref<1000000x64xf32, #tpu.memory_space<hbm>> -> memref<1000000x64xf32, #tpu.memory_space<hbm>>
    %dma_wait3A_64 = tpu.memref_slice %arg14[%dma_wait3A_58] : memref<8x!tpu.dma_semaphore, #tpu.memory_space<semaphore_mem>> -> memref<1x!tpu.dma_semaphore, #tpu.memory_space<semaphore_mem>>
    %dma_wait3A_65 = tpu.memref_squeeze %dma_wait3A_64 : memref<1x!tpu.dma_semaphore, #tpu.memory_space<semaphore_mem>> -> memref<!tpu.dma_semaphore, #tpu.memory_space<semaphore_mem>>
    tpu.wait_indirect_dma semaphore(%dma_wait3A_65 : memref<!tpu.dma_semaphore, #tpu.memory_space<semaphore_mem>>) src(%dma_wait3A_63 : memref<1000000x64xf32, #tpu.memory_space<hbm>>) dst(%arg7 : memref<128x64xf32, #tpu.memory_space<vmem>>)
    %add3A_66 = arith.constant 128 : i32
    %add3A_67 = arith.addi %mul3A_2, %add3A_66 : i32
    %dma_start3A_68 = arith.constant 1 : i32
    %dma_start3A_69 = arith.constant 0 : i32
    %dma_start3A_70 = tpu.memref_slice %arg4[%add3A_67, %dma_start3A_69] : memref<425984x64xf32, #tpu.memory_space<hbm>> -> memref<128x64xf32, #tpu.memory_space<hbm>>
    %dma_start3A_71 = tpu.memref_slice %arg15[%dma_start3A_68] : memref<8x!tpu.dma_semaphore, #tpu.memory_space<semaphore_mem>> -> memref<1x!tpu.dma_semaphore, #tpu.memory_space<semaphore_mem>>
    %dma_start3A_72 = tpu.memref_squeeze %dma_start3A_71 : memref<1x!tpu.dma_semaphore, #tpu.memory_space<semaphore_mem>> -> memref<!tpu.dma_semaphore, #tpu.memory_space<semaphore_mem>>
    %dma_start3A_73 = arith.constant 0 : i32
    %dma_start3A_74 = tpu.memref_slice %arg4[%add3A_67, %dma_start3A_73] : memref<425984x64xf32, #tpu.memory_space<hbm>> -> memref<128x64xf32, #tpu.memory_space<hbm>>
    tpu.enqueue_dma source(%arg7 : memref<128x64xf32, #tpu.memory_space<vmem>>) target(%dma_start3A_74 : memref<128x64xf32, #tpu.memory_space<hbm>>) target_semaphore(%dma_start3A_72 : memref<!tpu.dma_semaphore, #tpu.memory_space<semaphore_mem>>)
    %dma_start3A_75 = arith.constant 5 : i32
    %dma_start3A_76 = arith.constant 640 : i32
    %dma_start3A_77 = tpu.memref_slice %arg5[%dma_start3A_76] : memref<13312xi32, #tpu.memory_space<vmem>> -> memref<128xi32, #tpu.memory_space<vmem>>
    %dma_start3A_78 = arith.constant 0 : i32
    %dma_start3A_79 = arith.constant 0 : i32
    %dma_start3A_80 = tpu.memref_slice %arg3[%dma_start3A_78, %dma_start3A_79] : memref<1000000x64xf32, #tpu.memory_space<hbm>> -> memref<1000000x64xf32, #tpu.memory_space<hbm>>
    %dma_start3A_81 = tpu.memref_slice %arg14[%dma_start3A_75] : memref<8x!tpu.dma_semaphore, #tpu.memory_space<semaphore_mem>> -> memref<1x!tpu.dma_semaphore, #tpu.memory_space<semaphore_mem>>
    %dma_start3A_82 = tpu.memref_squeeze %dma_start3A_81 : memref<1x!tpu.dma_semaphore, #tpu.memory_space<semaphore_mem>> -> memref<!tpu.dma_semaphore, #tpu.memory_space<semaphore_mem>>
    tpu.enqueue_indirect_dma source(%dma_start3A_80 : memref<1000000x64xf32, #tpu.memory_space<hbm>>) target(%arg11 : memref<128x64xf32, #tpu.memory_space<vmem>>) offsets(%dma_start3A_77 : memref<128xi32, #tpu.memory_space<vmem>>) semaphore(%dma_start3A_82 : memref<!tpu.dma_semaphore, #tpu.memory_space<semaphore_mem>>)
    %dma_wait3A_83 = arith.constant 2 : i32
    %dma_wait3A_84 = arith.constant 0 : i32
    %dma_wait3A_85 = tpu.memref_slice %arg5[%dma_wait3A_84] : memref<13312xi32, #tpu.memory_space<vmem>> -> memref<128xi32, #tpu.memory_space<vmem>>
    %dma_wait3A_86 = arith.constant 0 : i32
    %dma_wait3A_87 = arith.constant 0 : i32
    %dma_wait3A_88 = tpu.memref_slice %arg3[%dma_wait3A_86, %dma_wait3A_87] : memref<1000000x64xf32, #tpu.memory_space<hbm>> -> memref<1000000x64xf32, #tpu.memory_space<hbm>>
    %dma_wait3A_89 = tpu.memref_slice %arg14[%dma_wait3A_83] : memref<8x!tpu.dma_semaphore, #tpu.memory_space<semaphore_mem>> -> memref<1x!tpu.dma_semaphore, #tpu.memory_space<semaphore_mem>>
    %dma_wait3A_90 = tpu.memref_squeeze %dma_wait3A_89 : memref<1x!tpu.dma_semaphore, #tpu.memory_space<semaphore_mem>> -> memref<!tpu.dma_semaphore, #tpu.memory_space<semaphore_mem>>
    tpu.wait_indirect_dma semaphore(%dma_wait3A_90 : memref<!tpu.dma_semaphore, #tpu.memory_space<semaphore_mem>>) src(%dma_wait3A_88 : memref<1000000x64xf32, #tpu.memory_space<hbm>>) dst(%arg8 : memref<128x64xf32, #tpu.memory_space<vmem>>)
    %add3A_91 = arith.constant 256 : i32
    %add3A_92 = arith.addi %mul3A_2, %add3A_91 : i32
    %dma_start3A_93 = arith.constant 2 : i32
    %dma_start3A_94 = arith.constant 0 : i32
    %dma_start3A_95 = tpu.memref_slice %arg4[%add3A_92, %dma_start3A_94] : memref<425984x64xf32, #tpu.memory_space<hbm>> -> memref<128x64xf32, #tpu.memory_space<hbm>>
    %dma_start3A_96 = tpu.memref_slice %arg15[%dma_start3A_93] : memref<8x!tpu.dma_semaphore, #tpu.memory_space<semaphore_mem>> -> memref<1x!tpu.dma_semaphore, #tpu.memory_space<semaphore_mem>>
    %dma_start3A_97 = tpu.memref_squeeze %dma_start3A_96 : memref<1x!tpu.dma_semaphore, #tpu.memory_space<semaphore_mem>> -> memref<!tpu.dma_semaphore, #tpu.memory_space<semaphore_mem>>
    %dma_start3A_98 = arith.constant 0 : i32
    %dma_start3A_99 = tpu.memref_slice %arg4[%add3A_92, %dma_start3A_98] : memref<425984x64xf32, #tpu.memory_space<hbm>> -> memref<128x64xf32, #tpu.memory_space<hbm>>
    tpu.enqueue_dma source(%arg8 : memref<128x64xf32, #tpu.memory_space<vmem>>) target(%dma_start3A_99 : memref<128x64xf32, #tpu.memory_space<hbm>>) target_semaphore(%dma_start3A_97 : memref<!tpu.dma_semaphore, #tpu.memory_space<semaphore_mem>>)
    %dma_start3A_100 = arith.constant 6 : i32
    %dma_start3A_101 = arith.constant 768 : i32
    %dma_start3A_102 = tpu.memref_slice %arg5[%dma_start3A_101] : memref<13312xi32, #tpu.memory_space<vmem>> -> memref<128xi32, #tpu.memory_space<vmem>>
    %dma_start3A_103 = arith.constant 0 : i32
    %dma_start3A_104 = arith.constant 0 : i32
    %dma_start3A_105 = tpu.memref_slice %arg3[%dma_start3A_103, %dma_start3A_104] : memref<1000000x64xf32, #tpu.memory_space<hbm>> -> memref<1000000x64xf32, #tpu.memory_space<hbm>>
    %dma_start3A_106 = tpu.memref_slice %arg14[%dma_start3A_100] : memref<8x!tpu.dma_semaphore, #tpu.memory_space<semaphore_mem>> -> memref<1x!tpu.dma_semaphore, #tpu.memory_space<semaphore_mem>>
    %dma_start3A_107 = tpu.memref_squeeze %dma_start3A_106 : memref<1x!tpu.dma_semaphore, #tpu.memory_space<semaphore_mem>> -> memref<!tpu.dma_semaphore, #tpu.memory_space<semaphore_mem>>
    tpu.enqueue_indirect_dma source(%dma_start3A_105 : memref<1000000x64xf32, #tpu.memory_space<hbm>>) target(%arg12 : memref<128x64xf32, #tpu.memory_space<vmem>>) offsets(%dma_start3A_102 : memref<128xi32, #tpu.memory_space<vmem>>) semaphore(%dma_start3A_107 : memref<!tpu.dma_semaphore, #tpu.memory_space<semaphore_mem>>)
    %dma_wait3A_108 = arith.constant 3 : i32
    %dma_wait3A_109 = arith.constant 0 : i32
    %dma_wait3A_110 = tpu.memref_slice %arg5[%dma_wait3A_109] : memref<13312xi32, #tpu.memory_space<vmem>> -> memref<128xi32, #tpu.memory_space<vmem>>
    %dma_wait3A_111 = arith.constant 0 : i32
    %dma_wait3A_112 = arith.constant 0 : i32
    %dma_wait3A_113 = tpu.memref_slice %arg3[%dma_wait3A_111, %dma_wait3A_112] : memref<1000000x64xf32, #tpu.memory_space<hbm>> -> memref<1000000x64xf32, #tpu.memory_space<hbm>>
    %dma_wait3A_114 = tpu.memref_slice %arg14[%dma_wait3A_108] : memref<8x!tpu.dma_semaphore, #tpu.memory_space<semaphore_mem>> -> memref<1x!tpu.dma_semaphore, #tpu.memory_space<semaphore_mem>>
    %dma_wait3A_115 = tpu.memref_squeeze %dma_wait3A_114 : memref<1x!tpu.dma_semaphore, #tpu.memory_space<semaphore_mem>> -> memref<!tpu.dma_semaphore, #tpu.memory_space<semaphore_mem>>
    tpu.wait_indirect_dma semaphore(%dma_wait3A_115 : memref<!tpu.dma_semaphore, #tpu.memory_space<semaphore_mem>>) src(%dma_wait3A_113 : memref<1000000x64xf32, #tpu.memory_space<hbm>>) dst(%arg9 : memref<128x64xf32, #tpu.memory_space<vmem>>)
    %add3A_116 = arith.constant 384 : i32
    %add3A_117 = arith.addi %mul3A_2, %add3A_116 : i32
    %dma_start3A_118 = arith.constant 3 : i32
    %dma_start3A_119 = arith.constant 0 : i32
    %dma_start3A_120 = tpu.memref_slice %arg4[%add3A_117, %dma_start3A_119] : memref<425984x64xf32, #tpu.memory_space<hbm>> -> memref<128x64xf32, #tpu.memory_space<hbm>>
    %dma_start3A_121 = tpu.memref_slice %arg15[%dma_start3A_118] : memref<8x!tpu.dma_semaphore, #tpu.memory_space<semaphore_mem>> -> memref<1x!tpu.dma_semaphore, #tpu.memory_space<semaphore_mem>>
    %dma_start3A_122 = tpu.memref_squeeze %dma_start3A_121 : memref<1x!tpu.dma_semaphore, #tpu.memory_space<semaphore_mem>> -> memref<!tpu.dma_semaphore, #tpu.memory_space<semaphore_mem>>
    %dma_start3A_123 = arith.constant 0 : i32
    %dma_start3A_124 = tpu.memref_slice %arg4[%add3A_117, %dma_start3A_123] : memref<425984x64xf32, #tpu.memory_space<hbm>> -> memref<128x64xf32, #tpu.memory_space<hbm>>
    tpu.enqueue_dma source(%arg9 : memref<128x64xf32, #tpu.memory_space<vmem>>) target(%dma_start3A_124 : memref<128x64xf32, #tpu.memory_space<hbm>>) target_semaphore(%dma_start3A_122 : memref<!tpu.dma_semaphore, #tpu.memory_space<semaphore_mem>>)
    %dma_start3A_125 = arith.constant 7 : i32
    %dma_start3A_126 = arith.constant 896 : i32
    %dma_start3A_127 = tpu.memref_slice %arg5[%dma_start3A_126] : memref<13312xi32, #tpu.memory_space<vmem>> -> memref<128xi32, #tpu.memory_space<vmem>>
    %dma_start3A_128 = arith.constant 0 : i32
    %dma_start3A_129 = arith.constant 0 : i32
    %dma_start3A_130 = tpu.memref_slice %arg3[%dma_start3A_128, %dma_start3A_129] : memref<1000000x64xf32, #tpu.memory_space<hbm>> -> memref<1000000x64xf32, #tpu.memory_space<hbm>>
    %dma_start3A_131 = tpu.memref_slice %arg14[%dma_start3A_125] : memref<8x!tpu.dma_semaphore, #tpu.memory_space<semaphore_mem>> -> memref<1x!tpu.dma_semaphore, #tpu.memory_space<semaphore_mem>>
    %dma_start3A_132 = tpu.memref_squeeze %dma_start3A_131 : memref<1x!tpu.dma_semaphore, #tpu.memory_space<semaphore_mem>> -> memref<!tpu.dma_semaphore, #tpu.memory_space<semaphore_mem>>
    tpu.enqueue_indirect_dma source(%dma_start3A_130 : memref<1000000x64xf32, #tpu.memory_space<hbm>>) target(%arg13 : memref<128x64xf32, #tpu.memory_space<vmem>>) offsets(%dma_start3A_127 : memref<128xi32, #tpu.memory_space<vmem>>) semaphore(%dma_start3A_132 : memref<!tpu.dma_semaphore, #tpu.memory_space<semaphore_mem>>)
    %dma_wait3A_133 = arith.constant 4 : i32
    %dma_wait3A_134 = arith.constant 0 : i32
    %dma_wait3A_135 = tpu.memref_slice %arg5[%dma_wait3A_134] : memref<13312xi32, #tpu.memory_space<vmem>> -> memref<128xi32, #tpu.memory_space<vmem>>
    %dma_wait3A_136 = arith.constant 0 : i32
    %dma_wait3A_137 = arith.constant 0 : i32
    %dma_wait3A_138 = tpu.memref_slice %arg3[%dma_wait3A_136, %dma_wait3A_137] : memref<1000000x64xf32, #tpu.memory_space<hbm>> -> memref<1000000x64xf32, #tpu.memory_space<hbm>>
    %dma_wait3A_139 = tpu.memref_slice %arg14[%dma_wait3A_133] : memref<8x!tpu.dma_semaphore, #tpu.memory_space<semaphore_mem>> -> memref<1x!tpu.dma_semaphore, #tpu.memory_space<semaphore_mem>>
    %dma_wait3A_140 = tpu.memref_squeeze %dma_wait3A_139 : memref<1x!tpu.dma_semaphore, #tpu.memory_space<semaphore_mem>> -> memref<!tpu.dma_semaphore, #tpu.memory_space<semaphore_mem>>
    tpu.wait_indirect_dma semaphore(%dma_wait3A_140 : memref<!tpu.dma_semaphore, #tpu.memory_space<semaphore_mem>>) src(%dma_wait3A_138 : memref<1000000x64xf32, #tpu.memory_space<hbm>>) dst(%arg10 : memref<128x64xf32, #tpu.memory_space<vmem>>)
    %add3A_141 = arith.constant 512 : i32
    %add3A_142 = arith.addi %mul3A_2, %add3A_141 : i32
    %dma_start3A_143 = arith.constant 4 : i32
    %dma_start3A_144 = arith.constant 0 : i32
    %dma_start3A_145 = tpu.memref_slice %arg4[%add3A_142, %dma_start3A_144] : memref<425984x64xf32, #tpu.memory_space<hbm>> -> memref<128x64xf32, #tpu.memory_space<hbm>>
    %dma_start3A_146 = tpu.memref_slice %arg15[%dma_start3A_143] : memref<8x!tpu.dma_semaphore, #tpu.memory_space<semaphore_mem>> -> memref<1x!tpu.dma_semaphore, #tpu.memory_space<semaphore_mem>>
    %dma_start3A_147 = tpu.memref_squeeze %dma_start3A_146 : memref<1x!tpu.dma_semaphore, #tpu.memory_space<semaphore_mem>> -> memref<!tpu.dma_semaphore, #tpu.memory_space<semaphore_mem>>
    %dma_start3A_148 = arith.constant 0 : i32
    %dma_start3A_149 = tpu.memref_slice %arg4[%add3A_142, %dma_start3A_148] : memref<425984x64xf32, #tpu.memory_space<hbm>> -> memref<128x64xf32, #tpu.memory_space<hbm>>
    tpu.enqueue_dma source(%arg10 : memref<128x64xf32, #tpu.memory_space<vmem>>) target(%dma_start3A_149 : memref<128x64xf32, #tpu.memory_space<hbm>>) target_semaphore(%dma_start3A_147 : memref<!tpu.dma_semaphore, #tpu.memory_space<semaphore_mem>>)
    %dma_wait3A_150 = arith.constant 0 : i32
    %dma_wait3A_151 = arith.constant 0 : i32
    %dma_wait3A_152 = arith.constant 0 : i32
    %dma_wait3A_153 = tpu.memref_slice %arg4[%dma_wait3A_151, %dma_wait3A_152] : memref<425984x64xf32, #tpu.memory_space<hbm>> -> memref<128x64xf32, #tpu.memory_space<hbm>>
    %dma_wait3A_154 = tpu.memref_slice %arg15[%dma_wait3A_150] : memref<8x!tpu.dma_semaphore, #tpu.memory_space<semaphore_mem>> -> memref<1x!tpu.dma_semaphore, #tpu.memory_space<semaphore_mem>>
    %dma_wait3A_155 = tpu.memref_squeeze %dma_wait3A_154 : memref<1x!tpu.dma_semaphore, #tpu.memory_space<semaphore_mem>> -> memref<!tpu.dma_semaphore, #tpu.memory_space<semaphore_mem>>
    %dma_wait3A_156 = arith.constant 0 : i32
    %dma_wait3A_157 = arith.constant 0 : i32
    %dma_wait3A_158 = tpu.memref_slice %arg4[%dma_wait3A_156, %dma_wait3A_157] : memref<425984x64xf32, #tpu.memory_space<hbm>> -> memref<128x64xf32, #tpu.memory_space<hbm>>
    tpu.wait_dma2 semaphore(%dma_wait3A_155 : memref<!tpu.dma_semaphore, #tpu.memory_space<semaphore_mem>>) src(%arg6 : memref<128x64xf32, #tpu.memory_space<vmem>>) dst(%dma_wait3A_158 : memref<128x64xf32, #tpu.memory_space<hbm>>)
    %dma_start3A_159 = arith.constant 0 : i32
    %dma_start3A_160 = arith.constant 1024 : i32
    %dma_start3A_161 = tpu.memref_slice %arg5[%dma_start3A_160] : memref<13312xi32, #tpu.memory_space<vmem>> -> memref<128xi32, #tpu.memory_space<vmem>>
    %dma_start3A_162 = arith.constant 0 : i32
    %dma_start3A_163 = arith.constant 0 : i32
    %dma_start3A_164 = tpu.memref_slice %arg3[%dma_start3A_162, %dma_start3A_163] : memref<1000000x64xf32, #tpu.memory_space<hbm>> -> memref<1000000x64xf32, #tpu.memory_space<hbm>>
    %dma_start3A_165 = tpu.memref_slice %arg14[%dma_start3A_159] : memref<8x!tpu.dma_semaphore, #tpu.memory_space<semaphore_mem>> -> memref<1x!tpu.dma_semaphore, #tpu.memory_space<semaphore_mem>>
    %dma_start3A_166 = tpu.memref_squeeze %dma_start3A_165 : memref<1x!tpu.dma_semaphore, #tpu.memory_space<semaphore_mem>> -> memref<!tpu.dma_semaphore, #tpu.memory_space<semaphore_mem>>
    tpu.enqueue_indirect_dma source(%dma_start3A_164 : memref<1000000x64xf32, #tpu.memory_space<hbm>>) target(%arg6 : memref<128x64xf32, #tpu.memory_space<vmem>>) offsets(%dma_start3A_161 : memref<128xi32, #tpu.memory_space<vmem>>) semaphore(%dma_start3A_166 : memref<!tpu.dma_semaphore, #tpu.memory_space<semaphore_mem>>)
    %dma_wait3A_167 = arith.constant 5 : i32
    %dma_wait3A_168 = arith.constant 0 : i32
    %dma_wait3A_169 = tpu.memref_slice %arg5[%dma_wait3A_168] : memref<13312xi32, #tpu.memory_space<vmem>> -> memref<128xi32, #tpu.memory_space<vmem>>
    %dma_wait3A_170 = arith.constant 0 : i32
    %dma_wait3A_171 = arith.constant 0 : i32
    %dma_wait3A_172 = tpu.memref_slice %arg3[%dma_wait3A_170, %dma_wait3A_171] : memref<1000000x64xf32, #tpu.memory_space<hbm>> -> memref<1000000x64xf32, #tpu.memory_space<hbm>>
    %dma_wait3A_173 = tpu.memref_slice %arg14[%dma_wait3A_167] : memref<8x!tpu.dma_semaphore, #tpu.memory_space<semaphore_mem>> -> memref<1x!tpu.dma_semaphore, #tpu.memory_space<semaphore_mem>>
    %dma_wait3A_174 = tpu.memref_squeeze %dma_wait3A_173 : memref<1x!tpu.dma_semaphore, #tpu.memory_space<semaphore_mem>> -> memref<!tpu.dma_semaphore, #tpu.memory_space<semaphore_mem>>
    tpu.wait_indirect_dma semaphore(%dma_wait3A_174 : memref<!tpu.dma_semaphore, #tpu.memory_space<semaphore_mem>>) src(%dma_wait3A_172 : memref<1000000x64xf32, #tpu.memory_space<hbm>>) dst(%arg11 : memref<128x64xf32, #tpu.memory_space<vmem>>)
    %add3A_175 = arith.constant 640 : i32
    %add3A_176 = arith.addi %mul3A_2, %add3A_175 : i32
    %dma_start3A_177 = arith.constant 5 : i32
    %dma_start3A_178 = arith.constant 0 : i32
    %dma_start3A_179 = tpu.memref_slice %arg4[%add3A_176, %dma_start3A_178] : memref<425984x64xf32, #tpu.memory_space<hbm>> -> memref<128x64xf32, #tpu.memory_space<hbm>>
    %dma_start3A_180 = tpu.memref_slice %arg15[%dma_start3A_177] : memref<8x!tpu.dma_semaphore, #tpu.memory_space<semaphore_mem>> -> memref<1x!tpu.dma_semaphore, #tpu.memory_space<semaphore_mem>>
    %dma_start3A_181 = tpu.memref_squeeze %dma_start3A_180 : memref<1x!tpu.dma_semaphore, #tpu.memory_space<semaphore_mem>> -> memref<!tpu.dma_semaphore, #tpu.memory_space<semaphore_mem>>
    %dma_start3A_182 = arith.constant 0 : i32
    %dma_start3A_183 = tpu.memref_slice %arg4[%add3A_176, %dma_start3A_182] : memref<425984x64xf32, #tpu.memory_space<hbm>> -> memref<128x64xf32, #tpu.memory_space<hbm>>
    tpu.enqueue_dma source(%arg11 : memref<128x64xf32, #tpu.memory_space<vmem>>) target(%dma_start3A_183 : memref<128x64xf32, #tpu.memory_space<hbm>>) target_semaphore(%dma_start3A_181 : memref<!tpu.dma_semaphore, #tpu.memory_space<semaphore_mem>>)
    %dma_wait3A_184 = arith.constant 1 : i32
    %dma_wait3A_185 = arith.constant 0 : i32
    %dma_wait3A_186 = arith.constant 0 : i32
    %dma_wait3A_187 = tpu.memref_slice %arg4[%dma_wait3A_185, %dma_wait3A_186] : memref<425984x64xf32, #tpu.memory_space<hbm>> -> memref<128x64xf32, #tpu.memory_space<hbm>>
    %dma_wait3A_188 = tpu.memref_slice %arg15[%dma_wait3A_184] : memref<8x!tpu.dma_semaphore, #tpu.memory_space<semaphore_mem>> -> memref<1x!tpu.dma_semaphore, #tpu.memory_space<semaphore_mem>>
    %dma_wait3A_189 = tpu.memref_squeeze %dma_wait3A_188 : memref<1x!tpu.dma_semaphore, #tpu.memory_space<semaphore_mem>> -> memref<!tpu.dma_semaphore, #tpu.memory_space<semaphore_mem>>
    %dma_wait3A_190 = arith.constant 0 : i32
    %dma_wait3A_191 = arith.constant 0 : i32
    %dma_wait3A_192 = tpu.memref_slice %arg4[%dma_wait3A_190, %dma_wait3A_191] : memref<425984x64xf32, #tpu.memory_space<hbm>> -> memref<128x64xf32, #tpu.memory_space<hbm>>
    tpu.wait_dma2 semaphore(%dma_wait3A_189 : memref<!tpu.dma_semaphore, #tpu.memory_space<semaphore_mem>>) src(%arg7 : memref<128x64xf32, #tpu.memory_space<vmem>>) dst(%dma_wait3A_192 : memref<128x64xf32, #tpu.memory_space<hbm>>)
    %dma_start3A_193 = arith.constant 1 : i32
    %dma_start3A_194 = arith.constant 1152 : i32
    %dma_start3A_195 = tpu.memref_slice %arg5[%dma_start3A_194] : memref<13312xi32, #tpu.memory_space<vmem>> -> memref<128xi32, #tpu.memory_space<vmem>>
    %dma_start3A_196 = arith.constant 0 : i32
    %dma_start3A_197 = arith.constant 0 : i32
    %dma_start3A_198 = tpu.memref_slice %arg3[%dma_start3A_196, %dma_start3A_197] : memref<1000000x64xf32, #tpu.memory_space<hbm>> -> memref<1000000x64xf32, #tpu.memory_space<hbm>>
    %dma_start3A_199 = tpu.memref_slice %arg14[%dma_start3A_193] : memref<8x!tpu.dma_semaphore, #tpu.memory_space<semaphore_mem>> -> memref<1x!tpu.dma_semaphore, #tpu.memory_space<semaphore_mem>>
    %dma_start3A_200 = tpu.memref_squeeze %dma_start3A_199 : memref<1x!tpu.dma_semaphore, #tpu.memory_space<semaphore_mem>> -> memref<!tpu.dma_semaphore, #tpu.memory_space<semaphore_mem>>
    tpu.enqueue_indirect_dma source(%dma_start3A_198 : memref<1000000x64xf32, #tpu.memory_space<hbm>>) target(%arg7 : memref<128x64xf32, #tpu.memory_space<vmem>>) offsets(%dma_start3A_195 : memref<128xi32, #tpu.memory_space<vmem>>) semaphore(%dma_start3A_200 : memref<!tpu.dma_semaphore, #tpu.memory_space<semaphore_mem>>)
    %dma_wait3A_201 = arith.constant 6 : i32
    %dma_wait3A_202 = arith.constant 0 : i32
    %dma_wait3A_203 = tpu.memref_slice %arg5[%dma_wait3A_202] : memref<13312xi32, #tpu.memory_space<vmem>> -> memref<128xi32, #tpu.memory_space<vmem>>
    %dma_wait3A_204 = arith.constant 0 : i32
    %dma_wait3A_205 = arith.constant 0 : i32
    %dma_wait3A_206 = tpu.memref_slice %arg3[%dma_wait3A_204, %dma_wait3A_205] : memref<1000000x64xf32, #tpu.memory_space<hbm>> -> memref<1000000x64xf32, #tpu.memory_space<hbm>>
    %dma_wait3A_207 = tpu.memref_slice %arg14[%dma_wait3A_201] : memref<8x!tpu.dma_semaphore, #tpu.memory_space<semaphore_mem>> -> memref<1x!tpu.dma_semaphore, #tpu.memory_space<semaphore_mem>>
    %dma_wait3A_208 = tpu.memref_squeeze %dma_wait3A_207 : memref<1x!tpu.dma_semaphore, #tpu.memory_space<semaphore_mem>> -> memref<!tpu.dma_semaphore, #tpu.memory_space<semaphore_mem>>
    tpu.wait_indirect_dma semaphore(%dma_wait3A_208 : memref<!tpu.dma_semaphore, #tpu.memory_space<semaphore_mem>>) src(%dma_wait3A_206 : memref<1000000x64xf32, #tpu.memory_space<hbm>>) dst(%arg12 : memref<128x64xf32, #tpu.memory_space<vmem>>)
    %add3A_209 = arith.constant 768 : i32
    %add3A_210 = arith.addi %mul3A_2, %add3A_209 : i32
    %dma_start3A_211 = arith.constant 6 : i32
    %dma_start3A_212 = arith.constant 0 : i32
    %dma_start3A_213 = tpu.memref_slice %arg4[%add3A_210, %dma_start3A_212] : memref<425984x64xf32, #tpu.memory_space<hbm>> -> memref<128x64xf32, #tpu.memory_space<hbm>>
    %dma_start3A_214 = tpu.memref_slice %arg15[%dma_start3A_211] : memref<8x!tpu.dma_semaphore, #tpu.memory_space<semaphore_mem>> -> memref<1x!tpu.dma_semaphore, #tpu.memory_space<semaphore_mem>>
    %dma_start3A_215 = tpu.memref_squeeze %dma_start3A_214 : memref<1x!tpu.dma_semaphore, #tpu.memory_space<semaphore_mem>> -> memref<!tpu.dma_semaphore, #tpu.memory_space<semaphore_mem>>
    %dma_start3A_216 = arith.constant 0 : i32
    %dma_start3A_217 = tpu.memref_slice %arg4[%add3A_210, %dma_start3A_216] : memref<425984x64xf32, #tpu.memory_space<hbm>> -> memref<128x64xf32, #tpu.memory_space<hbm>>
    tpu.enqueue_dma source(%arg12 : memref<128x64xf32, #tpu.memory_space<vmem>>) target(%dma_start3A_217 : memref<128x64xf32, #tpu.memory_space<hbm>>) target_semaphore(%dma_start3A_215 : memref<!tpu.dma_semaphore, #tpu.memory_space<semaphore_mem>>)
    %dma_wait3A_218 = arith.constant 2 : i32
    %dma_wait3A_219 = arith.constant 0 : i32
    %dma_wait3A_220 = arith.constant 0 : i32
    %dma_wait3A_221 = tpu.memref_slice %arg4[%dma_wait3A_219, %dma_wait3A_220] : memref<425984x64xf32, #tpu.memory_space<hbm>> -> memref<128x64xf32, #tpu.memory_space<hbm>>
    %dma_wait3A_222 = tpu.memref_slice %arg15[%dma_wait3A_218] : memref<8x!tpu.dma_semaphore, #tpu.memory_space<semaphore_mem>> -> memref<1x!tpu.dma_semaphore, #tpu.memory_space<semaphore_mem>>
    %dma_wait3A_223 = tpu.memref_squeeze %dma_wait3A_222 : memref<1x!tpu.dma_semaphore, #tpu.memory_space<semaphore_mem>> -> memref<!tpu.dma_semaphore, #tpu.memory_space<semaphore_mem>>
    %dma_wait3A_224 = arith.constant 0 : i32
    %dma_wait3A_225 = arith.constant 0 : i32
    %dma_wait3A_226 = tpu.memref_slice %arg4[%dma_wait3A_224, %dma_wait3A_225] : memref<425984x64xf32, #tpu.memory_space<hbm>> -> memref<128x64xf32, #tpu.memory_space<hbm>>
    tpu.wait_dma2 semaphore(%dma_wait3A_223 : memref<!tpu.dma_semaphore, #tpu.memory_space<semaphore_mem>>) src(%arg8 : memref<128x64xf32, #tpu.memory_space<vmem>>) dst(%dma_wait3A_226 : memref<128x64xf32, #tpu.memory_space<hbm>>)
    %dma_start3A_227 = arith.constant 2 : i32
    %dma_start3A_228 = arith.constant 1280 : i32
    %dma_start3A_229 = tpu.memref_slice %arg5[%dma_start3A_228] : memref<13312xi32, #tpu.memory_space<vmem>> -> memref<128xi32, #tpu.memory_space<vmem>>
    %dma_start3A_230 = arith.constant 0 : i32
    %dma_start3A_231 = arith.constant 0 : i32
    %dma_start3A_232 = tpu.memref_slice %arg3[%dma_start3A_230, %dma_start3A_231] : memref<1000000x64xf32, #tpu.memory_space<hbm>> -> memref<1000000x64xf32, #tpu.memory_space<hbm>>
    %dma_start3A_233 = tpu.memref_slice %arg14[%dma_start3A_227] : memref<8x!tpu.dma_semaphore, #tpu.memory_space<semaphore_mem>> -> memref<1x!tpu.dma_semaphore, #tpu.memory_space<semaphore_mem>>
    %dma_start3A_234 = tpu.memref_squeeze %dma_start3A_233 : memref<1x!tpu.dma_semaphore, #tpu.memory_space<semaphore_mem>> -> memref<!tpu.dma_semaphore, #tpu.memory_space<semaphore_mem>>
    tpu.enqueue_indirect_dma source(%dma_start3A_232 : memref<1000000x64xf32, #tpu.memory_space<hbm>>) target(%arg8 : memref<128x64xf32, #tpu.memory_space<vmem>>) offsets(%dma_start3A_229 : memref<128xi32, #tpu.memory_space<vmem>>) semaphore(%dma_start3A_234 : memref<!tpu.dma_semaphore, #tpu.memory_space<semaphore_mem>>)
    %dma_wait3A_235 = arith.constant 7 : i32
    %dma_wait3A_236 = arith.constant 0 : i32
    %dma_wait3A_237 = tpu.memref_slice %arg5[%dma_wait3A_236] : memref<13312xi32, #tpu.memory_space<vmem>> -> memref<128xi32, #tpu.memory_space<vmem>>
    %dma_wait3A_238 = arith.constant 0 : i32
    %dma_wait3A_239 = arith.constant 0 : i32
    %dma_wait3A_240 = tpu.memref_slice %arg3[%dma_wait3A_238, %dma_wait3A_239] : memref<1000000x64xf32, #tpu.memory_space<hbm>> -> memref<1000000x64xf32, #tpu.memory_space<hbm>>
    %dma_wait3A_241 = tpu.memref_slice %arg14[%dma_wait3A_235] : memref<8x!tpu.dma_semaphore, #tpu.memory_space<semaphore_mem>> -> memref<1x!tpu.dma_semaphore, #tpu.memory_space<semaphore_mem>>
    %dma_wait3A_242 = tpu.memref_squeeze %dma_wait3A_241 : memref<1x!tpu.dma_semaphore, #tpu.memory_space<semaphore_mem>> -> memref<!tpu.dma_semaphore, #tpu.memory_space<semaphore_mem>>
    tpu.wait_indirect_dma semaphore(%dma_wait3A_242 : memref<!tpu.dma_semaphore, #tpu.memory_space<semaphore_mem>>) src(%dma_wait3A_240 : memref<1000000x64xf32, #tpu.memory_space<hbm>>) dst(%arg13 : memref<128x64xf32, #tpu.memory_space<vmem>>)
    %add3A_243 = arith.constant 896 : i32
    %add3A_244 = arith.addi %mul3A_2, %add3A_243 : i32
    %dma_start3A_245 = arith.constant 7 : i32
    %dma_start3A_246 = arith.constant 0 : i32
    %dma_start3A_247 = tpu.memref_slice %arg4[%add3A_244, %dma_start3A_246] : memref<425984x64xf32, #tpu.memory_space<hbm>> -> memref<128x64xf32, #tpu.memory_space<hbm>>
    %dma_start3A_248 = tpu.memref_slice %arg15[%dma_start3A_245] : memref<8x!tpu.dma_semaphore, #tpu.memory_space<semaphore_mem>> -> memref<1x!tpu.dma_semaphore, #tpu.memory_space<semaphore_mem>>
    %dma_start3A_249 = tpu.memref_squeeze %dma_start3A_248 : memref<1x!tpu.dma_semaphore, #tpu.memory_space<semaphore_mem>> -> memref<!tpu.dma_semaphore, #tpu.memory_space<semaphore_mem>>
    %dma_start3A_250 = arith.constant 0 : i32
    %dma_start3A_251 = tpu.memref_slice %arg4[%add3A_244, %dma_start3A_250] : memref<425984x64xf32, #tpu.memory_space<hbm>> -> memref<128x64xf32, #tpu.memory_space<hbm>>
    tpu.enqueue_dma source(%arg13 : memref<128x64xf32, #tpu.memory_space<vmem>>) target(%dma_start3A_251 : memref<128x64xf32, #tpu.memory_space<hbm>>) target_semaphore(%dma_start3A_249 : memref<!tpu.dma_semaphore, #tpu.memory_space<semaphore_mem>>)
    %dma_wait3A_252 = arith.constant 3 : i32
    %dma_wait3A_253 = arith.constant 0 : i32
    %dma_wait3A_254 = arith.constant 0 : i32
    %dma_wait3A_255 = tpu.memref_slice %arg4[%dma_wait3A_253, %dma_wait3A_254] : memref<425984x64xf32, #tpu.memory_space<hbm>> -> memref<128x64xf32, #tpu.memory_space<hbm>>
    %dma_wait3A_256 = tpu.memref_slice %arg15[%dma_wait3A_252] : memref<8x!tpu.dma_semaphore, #tpu.memory_space<semaphore_mem>> -> memref<1x!tpu.dma_semaphore, #tpu.memory_space<semaphore_mem>>
    %dma_wait3A_257 = tpu.memref_squeeze %dma_wait3A_256 : memref<1x!tpu.dma_semaphore, #tpu.memory_space<semaphore_mem>> -> memref<!tpu.dma_semaphore, #tpu.memory_space<semaphore_mem>>
    %dma_wait3A_258 = arith.constant 0 : i32
    %dma_wait3A_259 = arith.constant 0 : i32
    %dma_wait3A_260 = tpu.memref_slice %arg4[%dma_wait3A_258, %dma_wait3A_259] : memref<425984x64xf32, #tpu.memory_space<hbm>> -> memref<128x64xf32, #tpu.memory_space<hbm>>
    tpu.wait_dma2 semaphore(%dma_wait3A_257 : memref<!tpu.dma_semaphore, #tpu.memory_space<semaphore_mem>>) src(%arg9 : memref<128x64xf32, #tpu.memory_space<vmem>>) dst(%dma_wait3A_260 : memref<128x64xf32, #tpu.memory_space<hbm>>)
    %dma_start3A_261 = arith.constant 3 : i32
    %dma_start3A_262 = arith.constant 1408 : i32
    %dma_start3A_263 = tpu.memref_slice %arg5[%dma_start3A_262] : memref<13312xi32, #tpu.memory_space<vmem>> -> memref<128xi32, #tpu.memory_space<vmem>>
    %dma_start3A_264 = arith.constant 0 : i32
    %dma_start3A_265 = arith.constant 0 : i32
    %dma_start3A_266 = tpu.memref_slice %arg3[%dma_start3A_264, %dma_start3A_265] : memref<1000000x64xf32, #tpu.memory_space<hbm>> -> memref<1000000x64xf32, #tpu.memory_space<hbm>>
    %dma_start3A_267 = tpu.memref_slice %arg14[%dma_start3A_261] : memref<8x!tpu.dma_semaphore, #tpu.memory_space<semaphore_mem>> -> memref<1x!tpu.dma_semaphore, #tpu.memory_space<semaphore_mem>>
    %dma_start3A_268 = tpu.memref_squeeze %dma_start3A_267 : memref<1x!tpu.dma_semaphore, #tpu.memory_space<semaphore_mem>> -> memref<!tpu.dma_semaphore, #tpu.memory_space<semaphore_mem>>
    tpu.enqueue_indirect_dma source(%dma_start3A_266 : memref<1000000x64xf32, #tpu.memory_space<hbm>>) target(%arg9 : memref<128x64xf32, #tpu.memory_space<vmem>>) offsets(%dma_start3A_263 : memref<128xi32, #tpu.memory_space<vmem>>) semaphore(%dma_start3A_268 : memref<!tpu.dma_semaphore, #tpu.memory_space<semaphore_mem>>)
    %scan3A = arith.constant 0 : i32
    %scan3A_269 = arith.constant 1 : i32
    %scan3A_270 = arith.constant 11 : i32
    %scan3A_271 = arith.addi %scan3A_269, %scan3A_270 : i32
    %scan3A_272 = arith.constant 1 : i32
    scf.for %scan3A_550 = %scan3A_269 to %scan3A_271 step %scan3A_272  : i32 {
      %mul3A_551 = arith.constant 8 : i32
      %mul3A_552 = arith.muli %scan3A_550, %mul3A_551 : i32
      %add3A_553 = arith.constant 0 : i32
      %add3A_554 = arith.addi %mul3A_552, %add3A_553 : i32
      %dma_wait3A_555 = arith.constant 0 : i32
      %dma_wait3A_556 = arith.constant 0 : i32
      %dma_wait3A_557 = tpu.memref_slice %arg5[%dma_wait3A_556] : memref<13312xi32, #tpu.memory_space<vmem>> -> memref<128xi32, #tpu.memory_space<vmem>>
      %dma_wait3A_558 = arith.constant 0 : i32
      %dma_wait3A_559 = arith.constant 0 : i32
      %dma_wait3A_560 = tpu.memref_slice %arg3[%dma_wait3A_558, %dma_wait3A_559] : memref<1000000x64xf32, #tpu.memory_space<hbm>> -> memref<1000000x64xf32, #tpu.memory_space<hbm>>
      %dma_wait3A_561 = tpu.memref_slice %arg14[%dma_wait3A_555] : memref<8x!tpu.dma_semaphore, #tpu.memory_space<semaphore_mem>> -> memref<1x!tpu.dma_semaphore, #tpu.memory_space<semaphore_mem>>
      %dma_wait3A_562 = tpu.memref_squeeze %dma_wait3A_561 : memref<1x!tpu.dma_semaphore, #tpu.memory_space<semaphore_mem>> -> memref<!tpu.dma_semaphore, #tpu.memory_space<semaphore_mem>>
      tpu.wait_indirect_dma semaphore(%dma_wait3A_562 : memref<!tpu.dma_semaphore, #tpu.memory_space<semaphore_mem>>) src(%dma_wait3A_560 : memref<1000000x64xf32, #tpu.memory_space<hbm>>) dst(%arg6 : memref<128x64xf32, #tpu.memory_space<vmem>>)
      %mul3A_563 = arith.constant 128 : i32
      %mul3A_564 = arith.muli %add3A_554, %mul3A_563 : i32
      %add3A_565 = arith.addi %mul3A_2, %mul3A_564 : i32
      %dma_start3A_566 = arith.constant 0 : i32
      %dma_start3A_567 = arith.constant 0 : i32
      %dma_start3A_568 = tpu.memref_slice %arg4[%add3A_565, %dma_start3A_567] : memref<425984x64xf32, #tpu.memory_space<hbm>> -> memref<128x64xf32, #tpu.memory_space<hbm>>
      %dma_start3A_569 = tpu.memref_slice %arg15[%dma_start3A_566] : memref<8x!tpu.dma_semaphore, #tpu.memory_space<semaphore_mem>> -> memref<1x!tpu.dma_semaphore, #tpu.memory_space<semaphore_mem>>
      %dma_start3A_570 = tpu.memref_squeeze %dma_start3A_569 : memref<1x!tpu.dma_semaphore, #tpu.memory_space<semaphore_mem>> -> memref<!tpu.dma_semaphore, #tpu.memory_space<semaphore_mem>>
      %dma_start3A_571 = arith.constant 0 : i32
      %dma_start3A_572 = tpu.memref_slice %arg4[%add3A_565, %dma_start3A_571] : memref<425984x64xf32, #tpu.memory_space<hbm>> -> memref<128x64xf32, #tpu.memory_space<hbm>>
      tpu.enqueue_dma source(%arg6 : memref<128x64xf32, #tpu.memory_space<vmem>>) target(%dma_start3A_572 : memref<128x64xf32, #tpu.memory_space<hbm>>) target_semaphore(%dma_start3A_570 : memref<!tpu.dma_semaphore, #tpu.memory_space<semaphore_mem>>)
      %dma_wait3A_573 = arith.constant 4 : i32
      %dma_wait3A_574 = arith.constant 0 : i32
      %dma_wait3A_575 = arith.constant 0 : i32
      %dma_wait3A_576 = tpu.memref_slice %arg4[%dma_wait3A_574, %dma_wait3A_575] : memref<425984x64xf32, #tpu.memory_space<hbm>> -> memref<128x64xf32, #tpu.memory_space<hbm>>
      %dma_wait3A_577 = tpu.memref_slice %arg15[%dma_wait3A_573] : memref<8x!tpu.dma_semaphore, #tpu.memory_space<semaphore_mem>> -> memref<1x!tpu.dma_semaphore, #tpu.memory_space<semaphore_mem>>
      %dma_wait3A_578 = tpu.memref_squeeze %dma_wait3A_577 : memref<1x!tpu.dma_semaphore, #tpu.memory_space<semaphore_mem>> -> memref<!tpu.dma_semaphore, #tpu.memory_space<semaphore_mem>>
      %dma_wait3A_579 = arith.constant 0 : i32
      %dma_wait3A_580 = arith.constant 0 : i32
      %dma_wait3A_581 = tpu.memref_slice %arg4[%dma_wait3A_579, %dma_wait3A_580] : memref<425984x64xf32, #tpu.memory_space<hbm>> -> memref<128x64xf32, #tpu.memory_space<hbm>>
      tpu.wait_dma2 semaphore(%dma_wait3A_578 : memref<!tpu.dma_semaphore, #tpu.memory_space<semaphore_mem>>) src(%arg10 : memref<128x64xf32, #tpu.memory_space<vmem>>) dst(%dma_wait3A_581 : memref<128x64xf32, #tpu.memory_space<hbm>>)
      %add3A_582 = arith.constant 4 : i32
      %add3A_583 = arith.addi %add3A_554, %add3A_582 : i32
      %mul3A_584 = arith.constant 128 : i32
      %mul3A_585 = arith.muli %add3A_583, %mul3A_584 : i32
      %dma_start3A_586 = arith.constant 4 : i32
      %dma_start3A_587 = tpu.memref_slice %arg5[%mul3A_585] : memref<13312xi32, #tpu.memory_space<vmem>> -> memref<128xi32, #tpu.memory_space<vmem>>
      %dma_start3A_588 = arith.constant 0 : i32
      %dma_start3A_589 = arith.constant 0 : i32
      %dma_start3A_590 = tpu.memref_slice %arg3[%dma_start3A_588, %dma_start3A_589] : memref<1000000x64xf32, #tpu.memory_space<hbm>> -> memref<1000000x64xf32, #tpu.memory_space<hbm>>
      %dma_start3A_591 = tpu.memref_slice %arg14[%dma_start3A_586] : memref<8x!tpu.dma_semaphore, #tpu.memory_space<semaphore_mem>> -> memref<1x!tpu.dma_semaphore, #tpu.memory_space<semaphore_mem>>
      %dma_start3A_592 = tpu.memref_squeeze %dma_start3A_591 : memref<1x!tpu.dma_semaphore, #tpu.memory_space<semaphore_mem>> -> memref<!tpu.dma_semaphore, #tpu.memory_space<semaphore_mem>>
      tpu.enqueue_indirect_dma source(%dma_start3A_590 : memref<1000000x64xf32, #tpu.memory_space<hbm>>) target(%arg10 : memref<128x64xf32, #tpu.memory_space<vmem>>) offsets(%dma_start3A_587 : memref<128xi32, #tpu.memory_space<vmem>>) semaphore(%dma_start3A_592 : memref<!tpu.dma_semaphore, #tpu.memory_space<semaphore_mem>>)
      %add3A_593 = arith.constant 1 : i32
      %add3A_594 = arith.addi %mul3A_552, %add3A_593 : i32
      %dma_wait3A_595 = arith.constant 1 : i32
      %dma_wait3A_596 = arith.constant 0 : i32
      %dma_wait3A_597 = tpu.memref_slice %arg5[%dma_wait3A_596] : memref<13312xi32, #tpu.memory_space<vmem>> -> memref<128xi32, #tpu.memory_space<vmem>>
      %dma_wait3A_598 = arith.constant 0 : i32
      %dma_wait3A_599 = arith.constant 0 : i32
      %dma_wait3A_600 = tpu.memref_slice %arg3[%dma_wait3A_598, %dma_wait3A_599] : memref<1000000x64xf32, #tpu.memory_space<hbm>> -> memref<1000000x64xf32, #tpu.memory_space<hbm>>
      %dma_wait3A_601 = tpu.memref_slice %arg14[%dma_wait3A_595] : memref<8x!tpu.dma_semaphore, #tpu.memory_space<semaphore_mem>> -> memref<1x!tpu.dma_semaphore, #tpu.memory_space<semaphore_mem>>
      %dma_wait3A_602 = tpu.memref_squeeze %dma_wait3A_601 : memref<1x!tpu.dma_semaphore, #tpu.memory_space<semaphore_mem>> -> memref<!tpu.dma_semaphore, #tpu.memory_space<semaphore_mem>>
      tpu.wait_indirect_dma semaphore(%dma_wait3A_602 : memref<!tpu.dma_semaphore, #tpu.memory_space<semaphore_mem>>) src(%dma_wait3A_600 : memref<1000000x64xf32, #tpu.memory_space<hbm>>) dst(%arg7 : memref<128x64xf32, #tpu.memory_space<vmem>>)
      %mul3A_603 = arith.constant 128 : i32
      %mul3A_604 = arith.muli %add3A_594, %mul3A_603 : i32
      %add3A_605 = arith.addi %mul3A_2, %mul3A_604 : i32
      %dma_start3A_606 = arith.constant 1 : i32
      %dma_start3A_607 = arith.constant 0 : i32
      %dma_start3A_608 = tpu.memref_slice %arg4[%add3A_605, %dma_start3A_607] : memref<425984x64xf32, #tpu.memory_space<hbm>> -> memref<128x64xf32, #tpu.memory_space<hbm>>
      %dma_start3A_609 = tpu.memref_slice %arg15[%dma_start3A_606] : memref<8x!tpu.dma_semaphore, #tpu.memory_space<semaphore_mem>> -> memref<1x!tpu.dma_semaphore, #tpu.memory_space<semaphore_mem>>
      %dma_start3A_610 = tpu.memref_squeeze %dma_start3A_609 : memref<1x!tpu.dma_semaphore, #tpu.memory_space<semaphore_mem>> -> memref<!tpu.dma_semaphore, #tpu.memory_space<semaphore_mem>>
      %dma_start3A_611 = arith.constant 0 : i32
      %dma_start3A_612 = tpu.memref_slice %arg4[%add3A_605, %dma_start3A_611] : memref<425984x64xf32, #tpu.memory_space<hbm>> -> memref<128x64xf32, #tpu.memory_space<hbm>>
      tpu.enqueue_dma source(%arg7 : memref<128x64xf32, #tpu.memory_space<vmem>>) target(%dma_start3A_612 : memref<128x64xf32, #tpu.memory_space<hbm>>) target_semaphore(%dma_start3A_610 : memref<!tpu.dma_semaphore, #tpu.memory_space<semaphore_mem>>)
      %dma_wait3A_613 = arith.constant 5 : i32
      %dma_wait3A_614 = arith.constant 0 : i32
      %dma_wait3A_615 = arith.constant 0 : i32
      %dma_wait3A_616 = tpu.memref_slice %arg4[%dma_wait3A_614, %dma_wait3A_615] : memref<425984x64xf32, #tpu.memory_space<hbm>> -> memref<128x64xf32, #tpu.memory_space<hbm>>
      %dma_wait3A_617 = tpu.memref_slice %arg15[%dma_wait3A_613] : memref<8x!tpu.dma_semaphore, #tpu.memory_space<semaphore_mem>> -> memref<1x!tpu.dma_semaphore, #tpu.memory_space<semaphore_mem>>
      %dma_wait3A_618 = tpu.memref_squeeze %dma_wait3A_617 : memref<1x!tpu.dma_semaphore, #tpu.memory_space<semaphore_mem>> -> memref<!tpu.dma_semaphore, #tpu.memory_space<semaphore_mem>>
      %dma_wait3A_619 = arith.constant 0 : i32
      %dma_wait3A_620 = arith.constant 0 : i32
      %dma_wait3A_621 = tpu.memref_slice %arg4[%dma_wait3A_619, %dma_wait3A_620] : memref<425984x64xf32, #tpu.memory_space<hbm>> -> memref<128x64xf32, #tpu.memory_space<hbm>>
      tpu.wait_dma2 semaphore(%dma_wait3A_618 : memref<!tpu.dma_semaphore, #tpu.memory_space<semaphore_mem>>) src(%arg11 : memref<128x64xf32, #tpu.memory_space<vmem>>) dst(%dma_wait3A_621 : memref<128x64xf32, #tpu.memory_space<hbm>>)
      %add3A_622 = arith.constant 4 : i32
      %add3A_623 = arith.addi %add3A_594, %add3A_622 : i32
      %mul3A_624 = arith.constant 128 : i32
      %mul3A_625 = arith.muli %add3A_623, %mul3A_624 : i32
      %dma_start3A_626 = arith.constant 5 : i32
      %dma_start3A_627 = tpu.memref_slice %arg5[%mul3A_625] : memref<13312xi32, #tpu.memory_space<vmem>> -> memref<128xi32, #tpu.memory_space<vmem>>
      %dma_start3A_628 = arith.constant 0 : i32
      %dma_start3A_629 = arith.constant 0 : i32
      %dma_start3A_630 = tpu.memref_slice %arg3[%dma_start3A_628, %dma_start3A_629] : memref<1000000x64xf32, #tpu.memory_space<hbm>> -> memref<1000000x64xf32, #tpu.memory_space<hbm>>
      %dma_start3A_631 = tpu.memref_slice %arg14[%dma_start3A_626] : memref<8x!tpu.dma_semaphore, #tpu.memory_space<semaphore_mem>> -> memref<1x!tpu.dma_semaphore, #tpu.memory_space<semaphore_mem>>
      %dma_start3A_632 = tpu.memref_squeeze %dma_start3A_631 : memref<1x!tpu.dma_semaphore, #tpu.memory_space<semaphore_mem>> -> memref<!tpu.dma_semaphore, #tpu.memory_space<semaphore_mem>>
      tpu.enqueue_indirect_dma source(%dma_start3A_630 : memref<1000000x64xf32, #tpu.memory_space<hbm>>) target(%arg11 : memref<128x64xf32, #tpu.memory_space<vmem>>) offsets(%dma_start3A_627 : memref<128xi32, #tpu.memory_space<vmem>>) semaphore(%dma_start3A_632 : memref<!tpu.dma_semaphore, #tpu.memory_space<semaphore_mem>>)
      %add3A_633 = arith.constant 2 : i32
      %add3A_634 = arith.addi %mul3A_552, %add3A_633 : i32
      %dma_wait3A_635 = arith.constant 2 : i32
      %dma_wait3A_636 = arith.constant 0 : i32
      %dma_wait3A_637 = tpu.memref_slice %arg5[%dma_wait3A_636] : memref<13312xi32, #tpu.memory_space<vmem>> -> memref<128xi32, #tpu.memory_space<vmem>>
      %dma_wait3A_638 = arith.constant 0 : i32
      %dma_wait3A_639 = arith.constant 0 : i32
      %dma_wait3A_640 = tpu.memref_slice %arg3[%dma_wait3A_638, %dma_wait3A_639] : memref<1000000x64xf32, #tpu.memory_space<hbm>> -> memref<1000000x64xf32, #tpu.memory_space<hbm>>
      %dma_wait3A_641 = tpu.memref_slice %arg14[%dma_wait3A_635] : memref<8x!tpu.dma_semaphore, #tpu.memory_space<semaphore_mem>> -> memref<1x!tpu.dma_semaphore, #tpu.memory_space<semaphore_mem>>
      %dma_wait3A_642 = tpu.memref_squeeze %dma_wait3A_641 : memref<1x!tpu.dma_semaphore, #tpu.memory_space<semaphore_mem>> -> memref<!tpu.dma_semaphore, #tpu.memory_space<semaphore_mem>>
      tpu.wait_indirect_dma semaphore(%dma_wait3A_642 : memref<!tpu.dma_semaphore, #tpu.memory_space<semaphore_mem>>) src(%dma_wait3A_640 : memref<1000000x64xf32, #tpu.memory_space<hbm>>) dst(%arg8 : memref<128x64xf32, #tpu.memory_space<vmem>>)
      %mul3A_643 = arith.constant 128 : i32
      %mul3A_644 = arith.muli %add3A_634, %mul3A_643 : i32
      %add3A_645 = arith.addi %mul3A_2, %mul3A_644 : i32
      %dma_start3A_646 = arith.constant 2 : i32
      %dma_start3A_647 = arith.constant 0 : i32
      %dma_start3A_648 = tpu.memref_slice %arg4[%add3A_645, %dma_start3A_647] : memref<425984x64xf32, #tpu.memory_space<hbm>> -> memref<128x64xf32, #tpu.memory_space<hbm>>
      %dma_start3A_649 = tpu.memref_slice %arg15[%dma_start3A_646] : memref<8x!tpu.dma_semaphore, #tpu.memory_space<semaphore_mem>> -> memref<1x!tpu.dma_semaphore, #tpu.memory_space<semaphore_mem>>
      %dma_start3A_650 = tpu.memref_squeeze %dma_start3A_649 : memref<1x!tpu.dma_semaphore, #tpu.memory_space<semaphore_mem>> -> memref<!tpu.dma_semaphore, #tpu.memory_space<semaphore_mem>>
      %dma_start3A_651 = arith.constant 0 : i32
      %dma_start3A_652 = tpu.memref_slice %arg4[%add3A_645, %dma_start3A_651] : memref<425984x64xf32, #tpu.memory_space<hbm>> -> memref<128x64xf32, #tpu.memory_space<hbm>>
      tpu.enqueue_dma source(%arg8 : memref<128x64xf32, #tpu.memory_space<vmem>>) target(%dma_start3A_652 : memref<128x64xf32, #tpu.memory_space<hbm>>) target_semaphore(%dma_start3A_650 : memref<!tpu.dma_semaphore, #tpu.memory_space<semaphore_mem>>)
      %dma_wait3A_653 = arith.constant 6 : i32
      %dma_wait3A_654 = arith.constant 0 : i32
      %dma_wait3A_655 = arith.constant 0 : i32
      %dma_wait3A_656 = tpu.memref_slice %arg4[%dma_wait3A_654, %dma_wait3A_655] : memref<425984x64xf32, #tpu.memory_space<hbm>> -> memref<128x64xf32, #tpu.memory_space<hbm>>
      %dma_wait3A_657 = tpu.memref_slice %arg15[%dma_wait3A_653] : memref<8x!tpu.dma_semaphore, #tpu.memory_space<semaphore_mem>> -> memref<1x!tpu.dma_semaphore, #tpu.memory_space<semaphore_mem>>
      %dma_wait3A_658 = tpu.memref_squeeze %dma_wait3A_657 : memref<1x!tpu.dma_semaphore, #tpu.memory_space<semaphore_mem>> -> memref<!tpu.dma_semaphore, #tpu.memory_space<semaphore_mem>>
      %dma_wait3A_659 = arith.constant 0 : i32
      %dma_wait3A_660 = arith.constant 0 : i32
      %dma_wait3A_661 = tpu.memref_slice %arg4[%dma_wait3A_659, %dma_wait3A_660] : memref<425984x64xf32, #tpu.memory_space<hbm>> -> memref<128x64xf32, #tpu.memory_space<hbm>>
      tpu.wait_dma2 semaphore(%dma_wait3A_658 : memref<!tpu.dma_semaphore, #tpu.memory_space<semaphore_mem>>) src(%arg12 : memref<128x64xf32, #tpu.memory_space<vmem>>) dst(%dma_wait3A_661 : memref<128x64xf32, #tpu.memory_space<hbm>>)
      %add3A_662 = arith.constant 4 : i32
      %add3A_663 = arith.addi %add3A_634, %add3A_662 : i32
      %mul3A_664 = arith.constant 128 : i32
      %mul3A_665 = arith.muli %add3A_663, %mul3A_664 : i32
      %dma_start3A_666 = arith.constant 6 : i32
      %dma_start3A_667 = tpu.memref_slice %arg5[%mul3A_665] : memref<13312xi32, #tpu.memory_space<vmem>> -> memref<128xi32, #tpu.memory_space<vmem>>
      %dma_start3A_668 = arith.constant 0 : i32
      %dma_start3A_669 = arith.constant 0 : i32
      %dma_start3A_670 = tpu.memref_slice %arg3[%dma_start3A_668, %dma_start3A_669] : memref<1000000x64xf32, #tpu.memory_space<hbm>> -> memref<1000000x64xf32, #tpu.memory_space<hbm>>
      %dma_start3A_671 = tpu.memref_slice %arg14[%dma_start3A_666] : memref<8x!tpu.dma_semaphore, #tpu.memory_space<semaphore_mem>> -> memref<1x!tpu.dma_semaphore, #tpu.memory_space<semaphore_mem>>
      %dma_start3A_672 = tpu.memref_squeeze %dma_start3A_671 : memref<1x!tpu.dma_semaphore, #tpu.memory_space<semaphore_mem>> -> memref<!tpu.dma_semaphore, #tpu.memory_space<semaphore_mem>>
      tpu.enqueue_indirect_dma source(%dma_start3A_670 : memref<1000000x64xf32, #tpu.memory_space<hbm>>) target(%arg12 : memref<128x64xf32, #tpu.memory_space<vmem>>) offsets(%dma_start3A_667 : memref<128xi32, #tpu.memory_space<vmem>>) semaphore(%dma_start3A_672 : memref<!tpu.dma_semaphore, #tpu.memory_space<semaphore_mem>>)
      %add3A_673 = arith.constant 3 : i32
      %add3A_674 = arith.addi %mul3A_552, %add3A_673 : i32
      %dma_wait3A_675 = arith.constant 3 : i32
      %dma_wait3A_676 = arith.constant 0 : i32
      %dma_wait3A_677 = tpu.memref_slice %arg5[%dma_wait3A_676] : memref<13312xi32, #tpu.memory_space<vmem>> -> memref<128xi32, #tpu.memory_space<vmem>>
      %dma_wait3A_678 = arith.constant 0 : i32
      %dma_wait3A_679 = arith.constant 0 : i32
      %dma_wait3A_680 = tpu.memref_slice %arg3[%dma_wait3A_678, %dma_wait3A_679] : memref<1000000x64xf32, #tpu.memory_space<hbm>> -> memref<1000000x64xf32, #tpu.memory_space<hbm>>
      %dma_wait3A_681 = tpu.memref_slice %arg14[%dma_wait3A_675] : memref<8x!tpu.dma_semaphore, #tpu.memory_space<semaphore_mem>> -> memref<1x!tpu.dma_semaphore, #tpu.memory_space<semaphore_mem>>
      %dma_wait3A_682 = tpu.memref_squeeze %dma_wait3A_681 : memref<1x!tpu.dma_semaphore, #tpu.memory_space<semaphore_mem>> -> memref<!tpu.dma_semaphore, #tpu.memory_space<semaphore_mem>>
      tpu.wait_indirect_dma semaphore(%dma_wait3A_682 : memref<!tpu.dma_semaphore, #tpu.memory_space<semaphore_mem>>) src(%dma_wait3A_680 : memref<1000000x64xf32, #tpu.memory_space<hbm>>) dst(%arg9 : memref<128x64xf32, #tpu.memory_space<vmem>>)
      %mul3A_683 = arith.constant 128 : i32
      %mul3A_684 = arith.muli %add3A_674, %mul3A_683 : i32
      %add3A_685 = arith.addi %mul3A_2, %mul3A_684 : i32
      %dma_start3A_686 = arith.constant 3 : i32
      %dma_start3A_687 = arith.constant 0 : i32
      %dma_start3A_688 = tpu.memref_slice %arg4[%add3A_685, %dma_start3A_687] : memref<425984x64xf32, #tpu.memory_space<hbm>> -> memref<128x64xf32, #tpu.memory_space<hbm>>
      %dma_start3A_689 = tpu.memref_slice %arg15[%dma_start3A_686] : memref<8x!tpu.dma_semaphore, #tpu.memory_space<semaphore_mem>> -> memref<1x!tpu.dma_semaphore, #tpu.memory_space<semaphore_mem>>
      %dma_start3A_690 = tpu.memref_squeeze %dma_start3A_689 : memref<1x!tpu.dma_semaphore, #tpu.memory_space<semaphore_mem>> -> memref<!tpu.dma_semaphore, #tpu.memory_space<semaphore_mem>>
      %dma_start3A_691 = arith.constant 0 : i32
      %dma_start3A_692 = tpu.memref_slice %arg4[%add3A_685, %dma_start3A_691] : memref<425984x64xf32, #tpu.memory_space<hbm>> -> memref<128x64xf32, #tpu.memory_space<hbm>>
      tpu.enqueue_dma source(%arg9 : memref<128x64xf32, #tpu.memory_space<vmem>>) target(%dma_start3A_692 : memref<128x64xf32, #tpu.memory_space<hbm>>) target_semaphore(%dma_start3A_690 : memref<!tpu.dma_semaphore, #tpu.memory_space<semaphore_mem>>)
      %dma_wait3A_693 = arith.constant 7 : i32
      %dma_wait3A_694 = arith.constant 0 : i32
      %dma_wait3A_695 = arith.constant 0 : i32
      %dma_wait3A_696 = tpu.memref_slice %arg4[%dma_wait3A_694, %dma_wait3A_695] : memref<425984x64xf32, #tpu.memory_space<hbm>> -> memref<128x64xf32, #tpu.memory_space<hbm>>
      %dma_wait3A_697 = tpu.memref_slice %arg15[%dma_wait3A_693] : memref<8x!tpu.dma_semaphore, #tpu.memory_space<semaphore_mem>> -> memref<1x!tpu.dma_semaphore, #tpu.memory_space<semaphore_mem>>
      %dma_wait3A_698 = tpu.memref_squeeze %dma_wait3A_697 : memref<1x!tpu.dma_semaphore, #tpu.memory_space<semaphore_mem>> -> memref<!tpu.dma_semaphore, #tpu.memory_space<semaphore_mem>>
      %dma_wait3A_699 = arith.constant 0 : i32
      %dma_wait3A_700 = arith.constant 0 : i32
      %dma_wait3A_701 = tpu.memref_slice %arg4[%dma_wait3A_699, %dma_wait3A_700] : memref<425984x64xf32, #tpu.memory_space<hbm>> -> memref<128x64xf32, #tpu.memory_space<hbm>>
      tpu.wait_dma2 semaphore(%dma_wait3A_698 : memref<!tpu.dma_semaphore, #tpu.memory_space<semaphore_mem>>) src(%arg13 : memref<128x64xf32, #tpu.memory_space<vmem>>) dst(%dma_wait3A_701 : memref<128x64xf32, #tpu.memory_space<hbm>>)
      %add3A_702 = arith.constant 4 : i32
      %add3A_703 = arith.addi %add3A_674, %add3A_702 : i32
      %mul3A_704 = arith.constant 128 : i32
      %mul3A_705 = arith.muli %add3A_703, %mul3A_704 : i32
      %dma_start3A_706 = arith.constant 7 : i32
      %dma_start3A_707 = tpu.memref_slice %arg5[%mul3A_705] : memref<13312xi32, #tpu.memory_space<vmem>> -> memref<128xi32, #tpu.memory_space<vmem>>
      %dma_start3A_708 = arith.constant 0 : i32
      %dma_start3A_709 = arith.constant 0 : i32
      %dma_start3A_710 = tpu.memref_slice %arg3[%dma_start3A_708, %dma_start3A_709] : memref<1000000x64xf32, #tpu.memory_space<hbm>> -> memref<1000000x64xf32, #tpu.memory_space<hbm>>
      %dma_start3A_711 = tpu.memref_slice %arg14[%dma_start3A_706] : memref<8x!tpu.dma_semaphore, #tpu.memory_space<semaphore_mem>> -> memref<1x!tpu.dma_semaphore, #tpu.memory_space<semaphore_mem>>
      %dma_start3A_712 = tpu.memref_squeeze %dma_start3A_711 : memref<1x!tpu.dma_semaphore, #tpu.memory_space<semaphore_mem>> -> memref<!tpu.dma_semaphore, #tpu.memory_space<semaphore_mem>>
      tpu.enqueue_indirect_dma source(%dma_start3A_710 : memref<1000000x64xf32, #tpu.memory_space<hbm>>) target(%arg13 : memref<128x64xf32, #tpu.memory_space<vmem>>) offsets(%dma_start3A_707 : memref<128xi32, #tpu.memory_space<vmem>>) semaphore(%dma_start3A_712 : memref<!tpu.dma_semaphore, #tpu.memory_space<semaphore_mem>>)
      %add3A_713 = arith.constant 4 : i32
      %add3A_714 = arith.addi %mul3A_552, %add3A_713 : i32
      %dma_wait3A_715 = arith.constant 4 : i32
      %dma_wait3A_716 = arith.constant 0 : i32
      %dma_wait3A_717 = tpu.memref_slice %arg5[%dma_wait3A_716] : memref<13312xi32, #tpu.memory_space<vmem>> -> memref<128xi32, #tpu.memory_space<vmem>>
      %dma_wait3A_718 = arith.constant 0 : i32
      %dma_wait3A_719 = arith.constant 0 : i32
      %dma_wait3A_720 = tpu.memref_slice %arg3[%dma_wait3A_718, %dma_wait3A_719] : memref<1000000x64xf32, #tpu.memory_space<hbm>> -> memref<1000000x64xf32, #tpu.memory_space<hbm>>
      %dma_wait3A_721 = tpu.memref_slice %arg14[%dma_wait3A_715] : memref<8x!tpu.dma_semaphore, #tpu.memory_space<semaphore_mem>> -> memref<1x!tpu.dma_semaphore, #tpu.memory_space<semaphore_mem>>
      %dma_wait3A_722 = tpu.memref_squeeze %dma_wait3A_721 : memref<1x!tpu.dma_semaphore, #tpu.memory_space<semaphore_mem>> -> memref<!tpu.dma_semaphore, #tpu.memory_space<semaphore_mem>>
      tpu.wait_indirect_dma semaphore(%dma_wait3A_722 : memref<!tpu.dma_semaphore, #tpu.memory_space<semaphore_mem>>) src(%dma_wait3A_720 : memref<1000000x64xf32, #tpu.memory_space<hbm>>) dst(%arg10 : memref<128x64xf32, #tpu.memory_space<vmem>>)
      %mul3A_723 = arith.constant 128 : i32
      %mul3A_724 = arith.muli %add3A_714, %mul3A_723 : i32
      %add3A_725 = arith.addi %mul3A_2, %mul3A_724 : i32
      %dma_start3A_726 = arith.constant 4 : i32
      %dma_start3A_727 = arith.constant 0 : i32
      %dma_start3A_728 = tpu.memref_slice %arg4[%add3A_725, %dma_start3A_727] : memref<425984x64xf32, #tpu.memory_space<hbm>> -> memref<128x64xf32, #tpu.memory_space<hbm>>
      %dma_start3A_729 = tpu.memref_slice %arg15[%dma_start3A_726] : memref<8x!tpu.dma_semaphore, #tpu.memory_space<semaphore_mem>> -> memref<1x!tpu.dma_semaphore, #tpu.memory_space<semaphore_mem>>
      %dma_start3A_730 = tpu.memref_squeeze %dma_start3A_729 : memref<1x!tpu.dma_semaphore, #tpu.memory_space<semaphore_mem>> -> memref<!tpu.dma_semaphore, #tpu.memory_space<semaphore_mem>>
      %dma_start3A_731 = arith.constant 0 : i32
      %dma_start3A_732 = tpu.memref_slice %arg4[%add3A_725, %dma_start3A_731] : memref<425984x64xf32, #tpu.memory_space<hbm>> -> memref<128x64xf32, #tpu.memory_space<hbm>>
      tpu.enqueue_dma source(%arg10 : memref<128x64xf32, #tpu.memory_space<vmem>>) target(%dma_start3A_732 : memref<128x64xf32, #tpu.memory_space<hbm>>) target_semaphore(%dma_start3A_730 : memref<!tpu.dma_semaphore, #tpu.memory_space<semaphore_mem>>)
      %dma_wait3A_733 = arith.constant 0 : i32
      %dma_wait3A_734 = arith.constant 0 : i32
      %dma_wait3A_735 = arith.constant 0 : i32
      %dma_wait3A_736 = tpu.memref_slice %arg4[%dma_wait3A_734, %dma_wait3A_735] : memref<425984x64xf32, #tpu.memory_space<hbm>> -> memref<128x64xf32, #tpu.memory_space<hbm>>
      %dma_wait3A_737 = tpu.memref_slice %arg15[%dma_wait3A_733] : memref<8x!tpu.dma_semaphore, #tpu.memory_space<semaphore_mem>> -> memref<1x!tpu.dma_semaphore, #tpu.memory_space<semaphore_mem>>
      %dma_wait3A_738 = tpu.memref_squeeze %dma_wait3A_737 : memref<1x!tpu.dma_semaphore, #tpu.memory_space<semaphore_mem>> -> memref<!tpu.dma_semaphore, #tpu.memory_space<semaphore_mem>>
      %dma_wait3A_739 = arith.constant 0 : i32
      %dma_wait3A_740 = arith.constant 0 : i32
      %dma_wait3A_741 = tpu.memref_slice %arg4[%dma_wait3A_739, %dma_wait3A_740] : memref<425984x64xf32, #tpu.memory_space<hbm>> -> memref<128x64xf32, #tpu.memory_space<hbm>>
      tpu.wait_dma2 semaphore(%dma_wait3A_738 : memref<!tpu.dma_semaphore, #tpu.memory_space<semaphore_mem>>) src(%arg6 : memref<128x64xf32, #tpu.memory_space<vmem>>) dst(%dma_wait3A_741 : memref<128x64xf32, #tpu.memory_space<hbm>>)
      %add3A_742 = arith.constant 4 : i32
      %add3A_743 = arith.addi %add3A_714, %add3A_742 : i32
      %mul3A_744 = arith.constant 128 : i32
      %mul3A_745 = arith.muli %add3A_743, %mul3A_744 : i32
      %dma_start3A_746 = arith.constant 0 : i32
      %dma_start3A_747 = tpu.memref_slice %arg5[%mul3A_745] : memref<13312xi32, #tpu.memory_space<vmem>> -> memref<128xi32, #tpu.memory_space<vmem>>
      %dma_start3A_748 = arith.constant 0 : i32
      %dma_start3A_749 = arith.constant 0 : i32
      %dma_start3A_750 = tpu.memref_slice %arg3[%dma_start3A_748, %dma_start3A_749] : memref<1000000x64xf32, #tpu.memory_space<hbm>> -> memref<1000000x64xf32, #tpu.memory_space<hbm>>
      %dma_start3A_751 = tpu.memref_slice %arg14[%dma_start3A_746] : memref<8x!tpu.dma_semaphore, #tpu.memory_space<semaphore_mem>> -> memref<1x!tpu.dma_semaphore, #tpu.memory_space<semaphore_mem>>
      %dma_start3A_752 = tpu.memref_squeeze %dma_start3A_751 : memref<1x!tpu.dma_semaphore, #tpu.memory_space<semaphore_mem>> -> memref<!tpu.dma_semaphore, #tpu.memory_space<semaphore_mem>>
      tpu.enqueue_indirect_dma source(%dma_start3A_750 : memref<1000000x64xf32, #tpu.memory_space<hbm>>) target(%arg6 : memref<128x64xf32, #tpu.memory_space<vmem>>) offsets(%dma_start3A_747 : memref<128xi32, #tpu.memory_space<vmem>>) semaphore(%dma_start3A_752 : memref<!tpu.dma_semaphore, #tpu.memory_space<semaphore_mem>>)
      %add3A_753 = arith.constant 5 : i32
      %add3A_754 = arith.addi %mul3A_552, %add3A_753 : i32
      %dma_wait3A_755 = arith.constant 5 : i32
      %dma_wait3A_756 = arith.constant 0 : i32
      %dma_wait3A_757 = tpu.memref_slice %arg5[%dma_wait3A_756] : memref<13312xi32, #tpu.memory_space<vmem>> -> memref<128xi32, #tpu.memory_space<vmem>>
      %dma_wait3A_758 = arith.constant 0 : i32
      %dma_wait3A_759 = arith.constant 0 : i32
      %dma_wait3A_760 = tpu.memref_slice %arg3[%dma_wait3A_758, %dma_wait3A_759] : memref<1000000x64xf32, #tpu.memory_space<hbm>> -> memref<1000000x64xf32, #tpu.memory_space<hbm>>
      %dma_wait3A_761 = tpu.memref_slice %arg14[%dma_wait3A_755] : memref<8x!tpu.dma_semaphore, #tpu.memory_space<semaphore_mem>> -> memref<1x!tpu.dma_semaphore, #tpu.memory_space<semaphore_mem>>
      %dma_wait3A_762 = tpu.memref_squeeze %dma_wait3A_761 : memref<1x!tpu.dma_semaphore, #tpu.memory_space<semaphore_mem>> -> memref<!tpu.dma_semaphore, #tpu.memory_space<semaphore_mem>>
      tpu.wait_indirect_dma semaphore(%dma_wait3A_762 : memref<!tpu.dma_semaphore, #tpu.memory_space<semaphore_mem>>) src(%dma_wait3A_760 : memref<1000000x64xf32, #tpu.memory_space<hbm>>) dst(%arg11 : memref<128x64xf32, #tpu.memory_space<vmem>>)
      %mul3A_763 = arith.constant 128 : i32
      %mul3A_764 = arith.muli %add3A_754, %mul3A_763 : i32
      %add3A_765 = arith.addi %mul3A_2, %mul3A_764 : i32
      %dma_start3A_766 = arith.constant 5 : i32
      %dma_start3A_767 = arith.constant 0 : i32
      %dma_start3A_768 = tpu.memref_slice %arg4[%add3A_765, %dma_start3A_767] : memref<425984x64xf32, #tpu.memory_space<hbm>> -> memref<128x64xf32, #tpu.memory_space<hbm>>
      %dma_start3A_769 = tpu.memref_slice %arg15[%dma_start3A_766] : memref<8x!tpu.dma_semaphore, #tpu.memory_space<semaphore_mem>> -> memref<1x!tpu.dma_semaphore, #tpu.memory_space<semaphore_mem>>
      %dma_start3A_770 = tpu.memref_squeeze %dma_start3A_769 : memref<1x!tpu.dma_semaphore, #tpu.memory_space<semaphore_mem>> -> memref<!tpu.dma_semaphore, #tpu.memory_space<semaphore_mem>>
      %dma_start3A_771 = arith.constant 0 : i32
      %dma_start3A_772 = tpu.memref_slice %arg4[%add3A_765, %dma_start3A_771] : memref<425984x64xf32, #tpu.memory_space<hbm>> -> memref<128x64xf32, #tpu.memory_space<hbm>>
      tpu.enqueue_dma source(%arg11 : memref<128x64xf32, #tpu.memory_space<vmem>>) target(%dma_start3A_772 : memref<128x64xf32, #tpu.memory_space<hbm>>) target_semaphore(%dma_start3A_770 : memref<!tpu.dma_semaphore, #tpu.memory_space<semaphore_mem>>)
      %dma_wait3A_773 = arith.constant 1 : i32
      %dma_wait3A_774 = arith.constant 0 : i32
      %dma_wait3A_775 = arith.constant 0 : i32
      %dma_wait3A_776 = tpu.memref_slice %arg4[%dma_wait3A_774, %dma_wait3A_775] : memref<425984x64xf32, #tpu.memory_space<hbm>> -> memref<128x64xf32, #tpu.memory_space<hbm>>
      %dma_wait3A_777 = tpu.memref_slice %arg15[%dma_wait3A_773] : memref<8x!tpu.dma_semaphore, #tpu.memory_space<semaphore_mem>> -> memref<1x!tpu.dma_semaphore, #tpu.memory_space<semaphore_mem>>
      %dma_wait3A_778 = tpu.memref_squeeze %dma_wait3A_777 : memref<1x!tpu.dma_semaphore, #tpu.memory_space<semaphore_mem>> -> memref<!tpu.dma_semaphore, #tpu.memory_space<semaphore_mem>>
      %dma_wait3A_779 = arith.constant 0 : i32
      %dma_wait3A_780 = arith.constant 0 : i32
      %dma_wait3A_781 = tpu.memref_slice %arg4[%dma_wait3A_779, %dma_wait3A_780] : memref<425984x64xf32, #tpu.memory_space<hbm>> -> memref<128x64xf32, #tpu.memory_space<hbm>>
      tpu.wait_dma2 semaphore(%dma_wait3A_778 : memref<!tpu.dma_semaphore, #tpu.memory_space<semaphore_mem>>) src(%arg7 : memref<128x64xf32, #tpu.memory_space<vmem>>) dst(%dma_wait3A_781 : memref<128x64xf32, #tpu.memory_space<hbm>>)
      %add3A_782 = arith.constant 4 : i32
      %add3A_783 = arith.addi %add3A_754, %add3A_782 : i32
      %mul3A_784 = arith.constant 128 : i32
      %mul3A_785 = arith.muli %add3A_783, %mul3A_784 : i32
      %dma_start3A_786 = arith.constant 1 : i32
      %dma_start3A_787 = tpu.memref_slice %arg5[%mul3A_785] : memref<13312xi32, #tpu.memory_space<vmem>> -> memref<128xi32, #tpu.memory_space<vmem>>
      %dma_start3A_788 = arith.constant 0 : i32
      %dma_start3A_789 = arith.constant 0 : i32
      %dma_start3A_790 = tpu.memref_slice %arg3[%dma_start3A_788, %dma_start3A_789] : memref<1000000x64xf32, #tpu.memory_space<hbm>> -> memref<1000000x64xf32, #tpu.memory_space<hbm>>
      %dma_start3A_791 = tpu.memref_slice %arg14[%dma_start3A_786] : memref<8x!tpu.dma_semaphore, #tpu.memory_space<semaphore_mem>> -> memref<1x!tpu.dma_semaphore, #tpu.memory_space<semaphore_mem>>
      %dma_start3A_792 = tpu.memref_squeeze %dma_start3A_791 : memref<1x!tpu.dma_semaphore, #tpu.memory_space<semaphore_mem>> -> memref<!tpu.dma_semaphore, #tpu.memory_space<semaphore_mem>>
      tpu.enqueue_indirect_dma source(%dma_start3A_790 : memref<1000000x64xf32, #tpu.memory_space<hbm>>) target(%arg7 : memref<128x64xf32, #tpu.memory_space<vmem>>) offsets(%dma_start3A_787 : memref<128xi32, #tpu.memory_space<vmem>>) semaphore(%dma_start3A_792 : memref<!tpu.dma_semaphore, #tpu.memory_space<semaphore_mem>>)
      %add3A_793 = arith.constant 6 : i32
      %add3A_794 = arith.addi %mul3A_552, %add3A_793 : i32
      %dma_wait3A_795 = arith.constant 6 : i32
      %dma_wait3A_796 = arith.constant 0 : i32
      %dma_wait3A_797 = tpu.memref_slice %arg5[%dma_wait3A_796] : memref<13312xi32, #tpu.memory_space<vmem>> -> memref<128xi32, #tpu.memory_space<vmem>>
      %dma_wait3A_798 = arith.constant 0 : i32
      %dma_wait3A_799 = arith.constant 0 : i32
      %dma_wait3A_800 = tpu.memref_slice %arg3[%dma_wait3A_798, %dma_wait3A_799] : memref<1000000x64xf32, #tpu.memory_space<hbm>> -> memref<1000000x64xf32, #tpu.memory_space<hbm>>
      %dma_wait3A_801 = tpu.memref_slice %arg14[%dma_wait3A_795] : memref<8x!tpu.dma_semaphore, #tpu.memory_space<semaphore_mem>> -> memref<1x!tpu.dma_semaphore, #tpu.memory_space<semaphore_mem>>
      %dma_wait3A_802 = tpu.memref_squeeze %dma_wait3A_801 : memref<1x!tpu.dma_semaphore, #tpu.memory_space<semaphore_mem>> -> memref<!tpu.dma_semaphore, #tpu.memory_space<semaphore_mem>>
      tpu.wait_indirect_dma semaphore(%dma_wait3A_802 : memref<!tpu.dma_semaphore, #tpu.memory_space<semaphore_mem>>) src(%dma_wait3A_800 : memref<1000000x64xf32, #tpu.memory_space<hbm>>) dst(%arg12 : memref<128x64xf32, #tpu.memory_space<vmem>>)
      %mul3A_803 = arith.constant 128 : i32
      %mul3A_804 = arith.muli %add3A_794, %mul3A_803 : i32
      %add3A_805 = arith.addi %mul3A_2, %mul3A_804 : i32
      %dma_start3A_806 = arith.constant 6 : i32
      %dma_start3A_807 = arith.constant 0 : i32
      %dma_start3A_808 = tpu.memref_slice %arg4[%add3A_805, %dma_start3A_807] : memref<425984x64xf32, #tpu.memory_space<hbm>> -> memref<128x64xf32, #tpu.memory_space<hbm>>
      %dma_start3A_809 = tpu.memref_slice %arg15[%dma_start3A_806] : memref<8x!tpu.dma_semaphore, #tpu.memory_space<semaphore_mem>> -> memref<1x!tpu.dma_semaphore, #tpu.memory_space<semaphore_mem>>
      %dma_start3A_810 = tpu.memref_squeeze %dma_start3A_809 : memref<1x!tpu.dma_semaphore, #tpu.memory_space<semaphore_mem>> -> memref<!tpu.dma_semaphore, #tpu.memory_space<semaphore_mem>>
      %dma_start3A_811 = arith.constant 0 : i32
      %dma_start3A_812 = tpu.memref_slice %arg4[%add3A_805, %dma_start3A_811] : memref<425984x64xf32, #tpu.memory_space<hbm>> -> memref<128x64xf32, #tpu.memory_space<hbm>>
      tpu.enqueue_dma source(%arg12 : memref<128x64xf32, #tpu.memory_space<vmem>>) target(%dma_start3A_812 : memref<128x64xf32, #tpu.memory_space<hbm>>) target_semaphore(%dma_start3A_810 : memref<!tpu.dma_semaphore, #tpu.memory_space<semaphore_mem>>)
      %dma_wait3A_813 = arith.constant 2 : i32
      %dma_wait3A_814 = arith.constant 0 : i32
      %dma_wait3A_815 = arith.constant 0 : i32
      %dma_wait3A_816 = tpu.memref_slice %arg4[%dma_wait3A_814, %dma_wait3A_815] : memref<425984x64xf32, #tpu.memory_space<hbm>> -> memref<128x64xf32, #tpu.memory_space<hbm>>
      %dma_wait3A_817 = tpu.memref_slice %arg15[%dma_wait3A_813] : memref<8x!tpu.dma_semaphore, #tpu.memory_space<semaphore_mem>> -> memref<1x!tpu.dma_semaphore, #tpu.memory_space<semaphore_mem>>
      %dma_wait3A_818 = tpu.memref_squeeze %dma_wait3A_817 : memref<1x!tpu.dma_semaphore, #tpu.memory_space<semaphore_mem>> -> memref<!tpu.dma_semaphore, #tpu.memory_space<semaphore_mem>>
      %dma_wait3A_819 = arith.constant 0 : i32
      %dma_wait3A_820 = arith.constant 0 : i32
      %dma_wait3A_821 = tpu.memref_slice %arg4[%dma_wait3A_819, %dma_wait3A_820] : memref<425984x64xf32, #tpu.memory_space<hbm>> -> memref<128x64xf32, #tpu.memory_space<hbm>>
      tpu.wait_dma2 semaphore(%dma_wait3A_818 : memref<!tpu.dma_semaphore, #tpu.memory_space<semaphore_mem>>) src(%arg8 : memref<128x64xf32, #tpu.memory_space<vmem>>) dst(%dma_wait3A_821 : memref<128x64xf32, #tpu.memory_space<hbm>>)
      %add3A_822 = arith.constant 4 : i32
      %add3A_823 = arith.addi %add3A_794, %add3A_822 : i32
      %mul3A_824 = arith.constant 128 : i32
      %mul3A_825 = arith.muli %add3A_823, %mul3A_824 : i32
      %dma_start3A_826 = arith.constant 2 : i32
      %dma_start3A_827 = tpu.memref_slice %arg5[%mul3A_825] : memref<13312xi32, #tpu.memory_space<vmem>> -> memref<128xi32, #tpu.memory_space<vmem>>
      %dma_start3A_828 = arith.constant 0 : i32
      %dma_start3A_829 = arith.constant 0 : i32
      %dma_start3A_830 = tpu.memref_slice %arg3[%dma_start3A_828, %dma_start3A_829] : memref<1000000x64xf32, #tpu.memory_space<hbm>> -> memref<1000000x64xf32, #tpu.memory_space<hbm>>
      %dma_start3A_831 = tpu.memref_slice %arg14[%dma_start3A_826] : memref<8x!tpu.dma_semaphore, #tpu.memory_space<semaphore_mem>> -> memref<1x!tpu.dma_semaphore, #tpu.memory_space<semaphore_mem>>
      %dma_start3A_832 = tpu.memref_squeeze %dma_start3A_831 : memref<1x!tpu.dma_semaphore, #tpu.memory_space<semaphore_mem>> -> memref<!tpu.dma_semaphore, #tpu.memory_space<semaphore_mem>>
      tpu.enqueue_indirect_dma source(%dma_start3A_830 : memref<1000000x64xf32, #tpu.memory_space<hbm>>) target(%arg8 : memref<128x64xf32, #tpu.memory_space<vmem>>) offsets(%dma_start3A_827 : memref<128xi32, #tpu.memory_space<vmem>>) semaphore(%dma_start3A_832 : memref<!tpu.dma_semaphore, #tpu.memory_space<semaphore_mem>>)
      %add3A_833 = arith.constant 7 : i32
      %add3A_834 = arith.addi %mul3A_552, %add3A_833 : i32
      %dma_wait3A_835 = arith.constant 7 : i32
      %dma_wait3A_836 = arith.constant 0 : i32
      %dma_wait3A_837 = tpu.memref_slice %arg5[%dma_wait3A_836] : memref<13312xi32, #tpu.memory_space<vmem>> -> memref<128xi32, #tpu.memory_space<vmem>>
      %dma_wait3A_838 = arith.constant 0 : i32
      %dma_wait3A_839 = arith.constant 0 : i32
      %dma_wait3A_840 = tpu.memref_slice %arg3[%dma_wait3A_838, %dma_wait3A_839] : memref<1000000x64xf32, #tpu.memory_space<hbm>> -> memref<1000000x64xf32, #tpu.memory_space<hbm>>
      %dma_wait3A_841 = tpu.memref_slice %arg14[%dma_wait3A_835] : memref<8x!tpu.dma_semaphore, #tpu.memory_space<semaphore_mem>> -> memref<1x!tpu.dma_semaphore, #tpu.memory_space<semaphore_mem>>
      %dma_wait3A_842 = tpu.memref_squeeze %dma_wait3A_841 : memref<1x!tpu.dma_semaphore, #tpu.memory_space<semaphore_mem>> -> memref<!tpu.dma_semaphore, #tpu.memory_space<semaphore_mem>>
      tpu.wait_indirect_dma semaphore(%dma_wait3A_842 : memref<!tpu.dma_semaphore, #tpu.memory_space<semaphore_mem>>) src(%dma_wait3A_840 : memref<1000000x64xf32, #tpu.memory_space<hbm>>) dst(%arg13 : memref<128x64xf32, #tpu.memory_space<vmem>>)
      %mul3A_843 = arith.constant 128 : i32
      %mul3A_844 = arith.muli %add3A_834, %mul3A_843 : i32
      %add3A_845 = arith.addi %mul3A_2, %mul3A_844 : i32
      %dma_start3A_846 = arith.constant 7 : i32
      %dma_start3A_847 = arith.constant 0 : i32
      %dma_start3A_848 = tpu.memref_slice %arg4[%add3A_845, %dma_start3A_847] : memref<425984x64xf32, #tpu.memory_space<hbm>> -> memref<128x64xf32, #tpu.memory_space<hbm>>
      %dma_start3A_849 = tpu.memref_slice %arg15[%dma_start3A_846] : memref<8x!tpu.dma_semaphore, #tpu.memory_space<semaphore_mem>> -> memref<1x!tpu.dma_semaphore, #tpu.memory_space<semaphore_mem>>
      %dma_start3A_850 = tpu.memref_squeeze %dma_start3A_849 : memref<1x!tpu.dma_semaphore, #tpu.memory_space<semaphore_mem>> -> memref<!tpu.dma_semaphore, #tpu.memory_space<semaphore_mem>>
      %dma_start3A_851 = arith.constant 0 : i32
      %dma_start3A_852 = tpu.memref_slice %arg4[%add3A_845, %dma_start3A_851] : memref<425984x64xf32, #tpu.memory_space<hbm>> -> memref<128x64xf32, #tpu.memory_space<hbm>>
      tpu.enqueue_dma source(%arg13 : memref<128x64xf32, #tpu.memory_space<vmem>>) target(%dma_start3A_852 : memref<128x64xf32, #tpu.memory_space<hbm>>) target_semaphore(%dma_start3A_850 : memref<!tpu.dma_semaphore, #tpu.memory_space<semaphore_mem>>)
      %dma_wait3A_853 = arith.constant 3 : i32
      %dma_wait3A_854 = arith.constant 0 : i32
      %dma_wait3A_855 = arith.constant 0 : i32
      %dma_wait3A_856 = tpu.memref_slice %arg4[%dma_wait3A_854, %dma_wait3A_855] : memref<425984x64xf32, #tpu.memory_space<hbm>> -> memref<128x64xf32, #tpu.memory_space<hbm>>
      %dma_wait3A_857 = tpu.memref_slice %arg15[%dma_wait3A_853] : memref<8x!tpu.dma_semaphore, #tpu.memory_space<semaphore_mem>> -> memref<1x!tpu.dma_semaphore, #tpu.memory_space<semaphore_mem>>
      %dma_wait3A_858 = tpu.memref_squeeze %dma_wait3A_857 : memref<1x!tpu.dma_semaphore, #tpu.memory_space<semaphore_mem>> -> memref<!tpu.dma_semaphore, #tpu.memory_space<semaphore_mem>>
      %dma_wait3A_859 = arith.constant 0 : i32
      %dma_wait3A_860 = arith.constant 0 : i32
      %dma_wait3A_861 = tpu.memref_slice %arg4[%dma_wait3A_859, %dma_wait3A_860] : memref<425984x64xf32, #tpu.memory_space<hbm>> -> memref<128x64xf32, #tpu.memory_space<hbm>>
      tpu.wait_dma2 semaphore(%dma_wait3A_858 : memref<!tpu.dma_semaphore, #tpu.memory_space<semaphore_mem>>) src(%arg9 : memref<128x64xf32, #tpu.memory_space<vmem>>) dst(%dma_wait3A_861 : memref<128x64xf32, #tpu.memory_space<hbm>>)
      %add3A_862 = arith.constant 4 : i32
      %add3A_863 = arith.addi %add3A_834, %add3A_862 : i32
      %mul3A_864 = arith.constant 128 : i32
      %mul3A_865 = arith.muli %add3A_863, %mul3A_864 : i32
      %dma_start3A_866 = arith.constant 3 : i32
      %dma_start3A_867 = tpu.memref_slice %arg5[%mul3A_865] : memref<13312xi32, #tpu.memory_space<vmem>> -> memref<128xi32, #tpu.memory_space<vmem>>
      %dma_start3A_868 = arith.constant 0 : i32
      %dma_start3A_869 = arith.constant 0 : i32
      %dma_start3A_870 = tpu.memref_slice %arg3[%dma_start3A_868, %dma_start3A_869] : memref<1000000x64xf32, #tpu.memory_space<hbm>> -> memref<1000000x64xf32, #tpu.memory_space<hbm>>
      %dma_start3A_871 = tpu.memref_slice %arg14[%dma_start3A_866] : memref<8x!tpu.dma_semaphore, #tpu.memory_space<semaphore_mem>> -> memref<1x!tpu.dma_semaphore, #tpu.memory_space<semaphore_mem>>
      %dma_start3A_872 = tpu.memref_squeeze %dma_start3A_871 : memref<1x!tpu.dma_semaphore, #tpu.memory_space<semaphore_mem>> -> memref<!tpu.dma_semaphore, #tpu.memory_space<semaphore_mem>>
      tpu.enqueue_indirect_dma source(%dma_start3A_870 : memref<1000000x64xf32, #tpu.memory_space<hbm>>) target(%arg9 : memref<128x64xf32, #tpu.memory_space<vmem>>) offsets(%dma_start3A_867 : memref<128xi32, #tpu.memory_space<vmem>>) semaphore(%dma_start3A_872 : memref<!tpu.dma_semaphore, #tpu.memory_space<semaphore_mem>>)
    }
    %scan3A_273 = arith.constant 11 : i32
    %dma_wait3A_274 = arith.constant 0 : i32
    %dma_wait3A_275 = arith.constant 0 : i32
    %dma_wait3A_276 = tpu.memref_slice %arg5[%dma_wait3A_275] : memref<13312xi32, #tpu.memory_space<vmem>> -> memref<128xi32, #tpu.memory_space<vmem>>
    %dma_wait3A_277 = arith.constant 0 : i32
    %dma_wait3A_278 = arith.constant 0 : i32
    %dma_wait3A_279 = tpu.memref_slice %arg3[%dma_wait3A_277, %dma_wait3A_278] : memref<1000000x64xf32, #tpu.memory_space<hbm>> -> memref<1000000x64xf32, #tpu.memory_space<hbm>>
    %dma_wait3A_280 = tpu.memref_slice %arg14[%dma_wait3A_274] : memref<8x!tpu.dma_semaphore, #tpu.memory_space<semaphore_mem>> -> memref<1x!tpu.dma_semaphore, #tpu.memory_space<semaphore_mem>>
    %dma_wait3A_281 = tpu.memref_squeeze %dma_wait3A_280 : memref<1x!tpu.dma_semaphore, #tpu.memory_space<semaphore_mem>> -> memref<!tpu.dma_semaphore, #tpu.memory_space<semaphore_mem>>
    tpu.wait_indirect_dma semaphore(%dma_wait3A_281 : memref<!tpu.dma_semaphore, #tpu.memory_space<semaphore_mem>>) src(%dma_wait3A_279 : memref<1000000x64xf32, #tpu.memory_space<hbm>>) dst(%arg6 : memref<128x64xf32, #tpu.memory_space<vmem>>)
    %add3A_282 = arith.constant 12288 : i32
    %add3A_283 = arith.addi %mul3A_2, %add3A_282 : i32
    %dma_start3A_284 = arith.constant 0 : i32
    %dma_start3A_285 = arith.constant 0 : i32
    %dma_start3A_286 = tpu.memref_slice %arg4[%add3A_283, %dma_start3A_285] : memref<425984x64xf32, #tpu.memory_space<hbm>> -> memref<128x64xf32, #tpu.memory_space<hbm>>
    %dma_start3A_287 = tpu.memref_slice %arg15[%dma_start3A_284] : memref<8x!tpu.dma_semaphore, #tpu.memory_space<semaphore_mem>> -> memref<1x!tpu.dma_semaphore, #tpu.memory_space<semaphore_mem>>
    %dma_start3A_288 = tpu.memref_squeeze %dma_start3A_287 : memref<1x!tpu.dma_semaphore, #tpu.memory_space<semaphore_mem>> -> memref<!tpu.dma_semaphore, #tpu.memory_space<semaphore_mem>>
    %dma_start3A_289 = arith.constant 0 : i32
    %dma_start3A_290 = tpu.memref_slice %arg4[%add3A_283, %dma_start3A_289] : memref<425984x64xf32, #tpu.memory_space<hbm>> -> memref<128x64xf32, #tpu.memory_space<hbm>>
    tpu.enqueue_dma source(%arg6 : memref<128x64xf32, #tpu.memory_space<vmem>>) target(%dma_start3A_290 : memref<128x64xf32, #tpu.memory_space<hbm>>) target_semaphore(%dma_start3A_288 : memref<!tpu.dma_semaphore, #tpu.memory_space<semaphore_mem>>)
    %dma_wait3A_291 = arith.constant 4 : i32
    %dma_wait3A_292 = arith.constant 0 : i32
    %dma_wait3A_293 = arith.constant 0 : i32
    %dma_wait3A_294 = tpu.memref_slice %arg4[%dma_wait3A_292, %dma_wait3A_293] : memref<425984x64xf32, #tpu.memory_space<hbm>> -> memref<128x64xf32, #tpu.memory_space<hbm>>
    %dma_wait3A_295 = tpu.memref_slice %arg15[%dma_wait3A_291] : memref<8x!tpu.dma_semaphore, #tpu.memory_space<semaphore_mem>> -> memref<1x!tpu.dma_semaphore, #tpu.memory_space<semaphore_mem>>
    %dma_wait3A_296 = tpu.memref_squeeze %dma_wait3A_295 : memref<1x!tpu.dma_semaphore, #tpu.memory_space<semaphore_mem>> -> memref<!tpu.dma_semaphore, #tpu.memory_space<semaphore_mem>>
    %dma_wait3A_297 = arith.constant 0 : i32
    %dma_wait3A_298 = arith.constant 0 : i32
    %dma_wait3A_299 = tpu.memref_slice %arg4[%dma_wait3A_297, %dma_wait3A_298] : memref<425984x64xf32, #tpu.memory_space<hbm>> -> memref<128x64xf32, #tpu.memory_space<hbm>>
    tpu.wait_dma2 semaphore(%dma_wait3A_296 : memref<!tpu.dma_semaphore, #tpu.memory_space<semaphore_mem>>) src(%arg10 : memref<128x64xf32, #tpu.memory_space<vmem>>) dst(%dma_wait3A_299 : memref<128x64xf32, #tpu.memory_space<hbm>>)
    %dma_start3A_300 = arith.constant 4 : i32
    %dma_start3A_301 = arith.constant 12800 : i32
    %dma_start3A_302 = tpu.memref_slice %arg5[%dma_start3A_301] : memref<13312xi32, #tpu.memory_space<vmem>> -> memref<128xi32, #tpu.memory_space<vmem>>
    %dma_start3A_303 = arith.constant 0 : i32
    %dma_start3A_304 = arith.constant 0 : i32
    %dma_start3A_305 = tpu.memref_slice %arg3[%dma_start3A_303, %dma_start3A_304] : memref<1000000x64xf32, #tpu.memory_space<hbm>> -> memref<1000000x64xf32, #tpu.memory_space<hbm>>
    %dma_start3A_306 = tpu.memref_slice %arg14[%dma_start3A_300] : memref<8x!tpu.dma_semaphore, #tpu.memory_space<semaphore_mem>> -> memref<1x!tpu.dma_semaphore, #tpu.memory_space<semaphore_mem>>
    %dma_start3A_307 = tpu.memref_squeeze %dma_start3A_306 : memref<1x!tpu.dma_semaphore, #tpu.memory_space<semaphore_mem>> -> memref<!tpu.dma_semaphore, #tpu.memory_space<semaphore_mem>>
    tpu.enqueue_indirect_dma source(%dma_start3A_305 : memref<1000000x64xf32, #tpu.memory_space<hbm>>) target(%arg10 : memref<128x64xf32, #tpu.memory_space<vmem>>) offsets(%dma_start3A_302 : memref<128xi32, #tpu.memory_space<vmem>>) semaphore(%dma_start3A_307 : memref<!tpu.dma_semaphore, #tpu.memory_space<semaphore_mem>>)
    %dma_wait3A_308 = arith.constant 1 : i32
    %dma_wait3A_309 = arith.constant 0 : i32
    %dma_wait3A_310 = tpu.memref_slice %arg5[%dma_wait3A_309] : memref<13312xi32, #tpu.memory_space<vmem>> -> memref<128xi32, #tpu.memory_space<vmem>>
    %dma_wait3A_311 = arith.constant 0 : i32
    %dma_wait3A_312 = arith.constant 0 : i32
    %dma_wait3A_313 = tpu.memref_slice %arg3[%dma_wait3A_311, %dma_wait3A_312] : memref<1000000x64xf32, #tpu.memory_space<hbm>> -> memref<1000000x64xf32, #tpu.memory_space<hbm>>
    %dma_wait3A_314 = tpu.memref_slice %arg14[%dma_wait3A_308] : memref<8x!tpu.dma_semaphore, #tpu.memory_space<semaphore_mem>> -> memref<1x!tpu.dma_semaphore, #tpu.memory_space<semaphore_mem>>
    %dma_wait3A_315 = tpu.memref_squeeze %dma_wait3A_314 : memref<1x!tpu.dma_semaphore, #tpu.memory_space<semaphore_mem>> -> memref<!tpu.dma_semaphore, #tpu.memory_space<semaphore_mem>>
    tpu.wait_indirect_dma semaphore(%dma_wait3A_315 : memref<!tpu.dma_semaphore, #tpu.memory_space<semaphore_mem>>) src(%dma_wait3A_313 : memref<1000000x64xf32, #tpu.memory_space<hbm>>) dst(%arg7 : memref<128x64xf32, #tpu.memory_space<vmem>>)
    %add3A_316 = arith.constant 12416 : i32
    %add3A_317 = arith.addi %mul3A_2, %add3A_316 : i32
    %dma_start3A_318 = arith.constant 1 : i32
    %dma_start3A_319 = arith.constant 0 : i32
    %dma_start3A_320 = tpu.memref_slice %arg4[%add3A_317, %dma_start3A_319] : memref<425984x64xf32, #tpu.memory_space<hbm>> -> memref<128x64xf32, #tpu.memory_space<hbm>>
    %dma_start3A_321 = tpu.memref_slice %arg15[%dma_start3A_318] : memref<8x!tpu.dma_semaphore, #tpu.memory_space<semaphore_mem>> -> memref<1x!tpu.dma_semaphore, #tpu.memory_space<semaphore_mem>>
    %dma_start3A_322 = tpu.memref_squeeze %dma_start3A_321 : memref<1x!tpu.dma_semaphore, #tpu.memory_space<semaphore_mem>> -> memref<!tpu.dma_semaphore, #tpu.memory_space<semaphore_mem>>
    %dma_start3A_323 = arith.constant 0 : i32
    %dma_start3A_324 = tpu.memref_slice %arg4[%add3A_317, %dma_start3A_323] : memref<425984x64xf32, #tpu.memory_space<hbm>> -> memref<128x64xf32, #tpu.memory_space<hbm>>
    tpu.enqueue_dma source(%arg7 : memref<128x64xf32, #tpu.memory_space<vmem>>) target(%dma_start3A_324 : memref<128x64xf32, #tpu.memory_space<hbm>>) target_semaphore(%dma_start3A_322 : memref<!tpu.dma_semaphore, #tpu.memory_space<semaphore_mem>>)
    %dma_wait3A_325 = arith.constant 5 : i32
    %dma_wait3A_326 = arith.constant 0 : i32
    %dma_wait3A_327 = arith.constant 0 : i32
    %dma_wait3A_328 = tpu.memref_slice %arg4[%dma_wait3A_326, %dma_wait3A_327] : memref<425984x64xf32, #tpu.memory_space<hbm>> -> memref<128x64xf32, #tpu.memory_space<hbm>>
    %dma_wait3A_329 = tpu.memref_slice %arg15[%dma_wait3A_325] : memref<8x!tpu.dma_semaphore, #tpu.memory_space<semaphore_mem>> -> memref<1x!tpu.dma_semaphore, #tpu.memory_space<semaphore_mem>>
    %dma_wait3A_330 = tpu.memref_squeeze %dma_wait3A_329 : memref<1x!tpu.dma_semaphore, #tpu.memory_space<semaphore_mem>> -> memref<!tpu.dma_semaphore, #tpu.memory_space<semaphore_mem>>
    %dma_wait3A_331 = arith.constant 0 : i32
    %dma_wait3A_332 = arith.constant 0 : i32
    %dma_wait3A_333 = tpu.memref_slice %arg4[%dma_wait3A_331, %dma_wait3A_332] : memref<425984x64xf32, #tpu.memory_space<hbm>> -> memref<128x64xf32, #tpu.memory_space<hbm>>
    tpu.wait_dma2 semaphore(%dma_wait3A_330 : memref<!tpu.dma_semaphore, #tpu.memory_space<semaphore_mem>>) src(%arg11 : memref<128x64xf32, #tpu.memory_space<vmem>>) dst(%dma_wait3A_333 : memref<128x64xf32, #tpu.memory_space<hbm>>)
    %dma_start3A_334 = arith.constant 5 : i32
    %dma_start3A_335 = arith.constant 12928 : i32
    %dma_start3A_336 = tpu.memref_slice %arg5[%dma_start3A_335] : memref<13312xi32, #tpu.memory_space<vmem>> -> memref<128xi32, #tpu.memory_space<vmem>>
    %dma_start3A_337 = arith.constant 0 : i32
    %dma_start3A_338 = arith.constant 0 : i32
    %dma_start3A_339 = tpu.memref_slice %arg3[%dma_start3A_337, %dma_start3A_338] : memref<1000000x64xf32, #tpu.memory_space<hbm>> -> memref<1000000x64xf32, #tpu.memory_space<hbm>>
    %dma_start3A_340 = tpu.memref_slice %arg14[%dma_start3A_334] : memref<8x!tpu.dma_semaphore, #tpu.memory_space<semaphore_mem>> -> memref<1x!tpu.dma_semaphore, #tpu.memory_space<semaphore_mem>>
    %dma_start3A_341 = tpu.memref_squeeze %dma_start3A_340 : memref<1x!tpu.dma_semaphore, #tpu.memory_space<semaphore_mem>> -> memref<!tpu.dma_semaphore, #tpu.memory_space<semaphore_mem>>
    tpu.enqueue_indirect_dma source(%dma_start3A_339 : memref<1000000x64xf32, #tpu.memory_space<hbm>>) target(%arg11 : memref<128x64xf32, #tpu.memory_space<vmem>>) offsets(%dma_start3A_336 : memref<128xi32, #tpu.memory_space<vmem>>) semaphore(%dma_start3A_341 : memref<!tpu.dma_semaphore, #tpu.memory_space<semaphore_mem>>)
    %dma_wait3A_342 = arith.constant 2 : i32
    %dma_wait3A_343 = arith.constant 0 : i32
    %dma_wait3A_344 = tpu.memref_slice %arg5[%dma_wait3A_343] : memref<13312xi32, #tpu.memory_space<vmem>> -> memref<128xi32, #tpu.memory_space<vmem>>
    %dma_wait3A_345 = arith.constant 0 : i32
    %dma_wait3A_346 = arith.constant 0 : i32
    %dma_wait3A_347 = tpu.memref_slice %arg3[%dma_wait3A_345, %dma_wait3A_346] : memref<1000000x64xf32, #tpu.memory_space<hbm>> -> memref<1000000x64xf32, #tpu.memory_space<hbm>>
    %dma_wait3A_348 = tpu.memref_slice %arg14[%dma_wait3A_342] : memref<8x!tpu.dma_semaphore, #tpu.memory_space<semaphore_mem>> -> memref<1x!tpu.dma_semaphore, #tpu.memory_space<semaphore_mem>>
    %dma_wait3A_349 = tpu.memref_squeeze %dma_wait3A_348 : memref<1x!tpu.dma_semaphore, #tpu.memory_space<semaphore_mem>> -> memref<!tpu.dma_semaphore, #tpu.memory_space<semaphore_mem>>
    tpu.wait_indirect_dma semaphore(%dma_wait3A_349 : memref<!tpu.dma_semaphore, #tpu.memory_space<semaphore_mem>>) src(%dma_wait3A_347 : memref<1000000x64xf32, #tpu.memory_space<hbm>>) dst(%arg8 : memref<128x64xf32, #tpu.memory_space<vmem>>)
    %add3A_350 = arith.constant 12544 : i32
    %add3A_351 = arith.addi %mul3A_2, %add3A_350 : i32
    %dma_start3A_352 = arith.constant 2 : i32
    %dma_start3A_353 = arith.constant 0 : i32
    %dma_start3A_354 = tpu.memref_slice %arg4[%add3A_351, %dma_start3A_353] : memref<425984x64xf32, #tpu.memory_space<hbm>> -> memref<128x64xf32, #tpu.memory_space<hbm>>
    %dma_start3A_355 = tpu.memref_slice %arg15[%dma_start3A_352] : memref<8x!tpu.dma_semaphore, #tpu.memory_space<semaphore_mem>> -> memref<1x!tpu.dma_semaphore, #tpu.memory_space<semaphore_mem>>
    %dma_start3A_356 = tpu.memref_squeeze %dma_start3A_355 : memref<1x!tpu.dma_semaphore, #tpu.memory_space<semaphore_mem>> -> memref<!tpu.dma_semaphore, #tpu.memory_space<semaphore_mem>>
    %dma_start3A_357 = arith.constant 0 : i32
    %dma_start3A_358 = tpu.memref_slice %arg4[%add3A_351, %dma_start3A_357] : memref<425984x64xf32, #tpu.memory_space<hbm>> -> memref<128x64xf32, #tpu.memory_space<hbm>>
    tpu.enqueue_dma source(%arg8 : memref<128x64xf32, #tpu.memory_space<vmem>>) target(%dma_start3A_358 : memref<128x64xf32, #tpu.memory_space<hbm>>) target_semaphore(%dma_start3A_356 : memref<!tpu.dma_semaphore, #tpu.memory_space<semaphore_mem>>)
    %dma_wait3A_359 = arith.constant 6 : i32
    %dma_wait3A_360 = arith.constant 0 : i32
    %dma_wait3A_361 = arith.constant 0 : i32
    %dma_wait3A_362 = tpu.memref_slice %arg4[%dma_wait3A_360, %dma_wait3A_361] : memref<425984x64xf32, #tpu.memory_space<hbm>> -> memref<128x64xf32, #tpu.memory_space<hbm>>
    %dma_wait3A_363 = tpu.memref_slice %arg15[%dma_wait3A_359] : memref<8x!tpu.dma_semaphore, #tpu.memory_space<semaphore_mem>> -> memref<1x!tpu.dma_semaphore, #tpu.memory_space<semaphore_mem>>
    %dma_wait3A_364 = tpu.memref_squeeze %dma_wait3A_363 : memref<1x!tpu.dma_semaphore, #tpu.memory_space<semaphore_mem>> -> memref<!tpu.dma_semaphore, #tpu.memory_space<semaphore_mem>>
    %dma_wait3A_365 = arith.constant 0 : i32
    %dma_wait3A_366 = arith.constant 0 : i32
    %dma_wait3A_367 = tpu.memref_slice %arg4[%dma_wait3A_365, %dma_wait3A_366] : memref<425984x64xf32, #tpu.memory_space<hbm>> -> memref<128x64xf32, #tpu.memory_space<hbm>>
    tpu.wait_dma2 semaphore(%dma_wait3A_364 : memref<!tpu.dma_semaphore, #tpu.memory_space<semaphore_mem>>) src(%arg12 : memref<128x64xf32, #tpu.memory_space<vmem>>) dst(%dma_wait3A_367 : memref<128x64xf32, #tpu.memory_space<hbm>>)
    %dma_start3A_368 = arith.constant 6 : i32
    %dma_start3A_369 = arith.constant 13056 : i32
    %dma_start3A_370 = tpu.memref_slice %arg5[%dma_start3A_369] : memref<13312xi32, #tpu.memory_space<vmem>> -> memref<128xi32, #tpu.memory_space<vmem>>
    %dma_start3A_371 = arith.constant 0 : i32
    %dma_start3A_372 = arith.constant 0 : i32
    %dma_start3A_373 = tpu.memref_slice %arg3[%dma_start3A_371, %dma_start3A_372] : memref<1000000x64xf32, #tpu.memory_space<hbm>> -> memref<1000000x64xf32, #tpu.memory_space<hbm>>
    %dma_start3A_374 = tpu.memref_slice %arg14[%dma_start3A_368] : memref<8x!tpu.dma_semaphore, #tpu.memory_space<semaphore_mem>> -> memref<1x!tpu.dma_semaphore, #tpu.memory_space<semaphore_mem>>
    %dma_start3A_375 = tpu.memref_squeeze %dma_start3A_374 : memref<1x!tpu.dma_semaphore, #tpu.memory_space<semaphore_mem>> -> memref<!tpu.dma_semaphore, #tpu.memory_space<semaphore_mem>>
    tpu.enqueue_indirect_dma source(%dma_start3A_373 : memref<1000000x64xf32, #tpu.memory_space<hbm>>) target(%arg12 : memref<128x64xf32, #tpu.memory_space<vmem>>) offsets(%dma_start3A_370 : memref<128xi32, #tpu.memory_space<vmem>>) semaphore(%dma_start3A_375 : memref<!tpu.dma_semaphore, #tpu.memory_space<semaphore_mem>>)
    %dma_wait3A_376 = arith.constant 3 : i32
    %dma_wait3A_377 = arith.constant 0 : i32
    %dma_wait3A_378 = tpu.memref_slice %arg5[%dma_wait3A_377] : memref<13312xi32, #tpu.memory_space<vmem>> -> memref<128xi32, #tpu.memory_space<vmem>>
    %dma_wait3A_379 = arith.constant 0 : i32
    %dma_wait3A_380 = arith.constant 0 : i32
    %dma_wait3A_381 = tpu.memref_slice %arg3[%dma_wait3A_379, %dma_wait3A_380] : memref<1000000x64xf32, #tpu.memory_space<hbm>> -> memref<1000000x64xf32, #tpu.memory_space<hbm>>
    %dma_wait3A_382 = tpu.memref_slice %arg14[%dma_wait3A_376] : memref<8x!tpu.dma_semaphore, #tpu.memory_space<semaphore_mem>> -> memref<1x!tpu.dma_semaphore, #tpu.memory_space<semaphore_mem>>
    %dma_wait3A_383 = tpu.memref_squeeze %dma_wait3A_382 : memref<1x!tpu.dma_semaphore, #tpu.memory_space<semaphore_mem>> -> memref<!tpu.dma_semaphore, #tpu.memory_space<semaphore_mem>>
    tpu.wait_indirect_dma semaphore(%dma_wait3A_383 : memref<!tpu.dma_semaphore, #tpu.memory_space<semaphore_mem>>) src(%dma_wait3A_381 : memref<1000000x64xf32, #tpu.memory_space<hbm>>) dst(%arg9 : memref<128x64xf32, #tpu.memory_space<vmem>>)
    %add3A_384 = arith.constant 12672 : i32
    %add3A_385 = arith.addi %mul3A_2, %add3A_384 : i32
    %dma_start3A_386 = arith.constant 3 : i32
    %dma_start3A_387 = arith.constant 0 : i32
    %dma_start3A_388 = tpu.memref_slice %arg4[%add3A_385, %dma_start3A_387] : memref<425984x64xf32, #tpu.memory_space<hbm>> -> memref<128x64xf32, #tpu.memory_space<hbm>>
    %dma_start3A_389 = tpu.memref_slice %arg15[%dma_start3A_386] : memref<8x!tpu.dma_semaphore, #tpu.memory_space<semaphore_mem>> -> memref<1x!tpu.dma_semaphore, #tpu.memory_space<semaphore_mem>>
    %dma_start3A_390 = tpu.memref_squeeze %dma_start3A_389 : memref<1x!tpu.dma_semaphore, #tpu.memory_space<semaphore_mem>> -> memref<!tpu.dma_semaphore, #tpu.memory_space<semaphore_mem>>
    %dma_start3A_391 = arith.constant 0 : i32
    %dma_start3A_392 = tpu.memref_slice %arg4[%add3A_385, %dma_start3A_391] : memref<425984x64xf32, #tpu.memory_space<hbm>> -> memref<128x64xf32, #tpu.memory_space<hbm>>
    tpu.enqueue_dma source(%arg9 : memref<128x64xf32, #tpu.memory_space<vmem>>) target(%dma_start3A_392 : memref<128x64xf32, #tpu.memory_space<hbm>>) target_semaphore(%dma_start3A_390 : memref<!tpu.dma_semaphore, #tpu.memory_space<semaphore_mem>>)
    %dma_wait3A_393 = arith.constant 7 : i32
    %dma_wait3A_394 = arith.constant 0 : i32
    %dma_wait3A_395 = arith.constant 0 : i32
    %dma_wait3A_396 = tpu.memref_slice %arg4[%dma_wait3A_394, %dma_wait3A_395] : memref<425984x64xf32, #tpu.memory_space<hbm>> -> memref<128x64xf32, #tpu.memory_space<hbm>>
    %dma_wait3A_397 = tpu.memref_slice %arg15[%dma_wait3A_393] : memref<8x!tpu.dma_semaphore, #tpu.memory_space<semaphore_mem>> -> memref<1x!tpu.dma_semaphore, #tpu.memory_space<semaphore_mem>>
    %dma_wait3A_398 = tpu.memref_squeeze %dma_wait3A_397 : memref<1x!tpu.dma_semaphore, #tpu.memory_space<semaphore_mem>> -> memref<!tpu.dma_semaphore, #tpu.memory_space<semaphore_mem>>
    %dma_wait3A_399 = arith.constant 0 : i32
    %dma_wait3A_400 = arith.constant 0 : i32
    %dma_wait3A_401 = tpu.memref_slice %arg4[%dma_wait3A_399, %dma_wait3A_400] : memref<425984x64xf32, #tpu.memory_space<hbm>> -> memref<128x64xf32, #tpu.memory_space<hbm>>
    tpu.wait_dma2 semaphore(%dma_wait3A_398 : memref<!tpu.dma_semaphore, #tpu.memory_space<semaphore_mem>>) src(%arg13 : memref<128x64xf32, #tpu.memory_space<vmem>>) dst(%dma_wait3A_401 : memref<128x64xf32, #tpu.memory_space<hbm>>)
    %dma_start3A_402 = arith.constant 7 : i32
    %dma_start3A_403 = arith.constant 13184 : i32
    %dma_start3A_404 = tpu.memref_slice %arg5[%dma_start3A_403] : memref<13312xi32, #tpu.memory_space<vmem>> -> memref<128xi32, #tpu.memory_space<vmem>>
    %dma_start3A_405 = arith.constant 0 : i32
    %dma_start3A_406 = arith.constant 0 : i32
    %dma_start3A_407 = tpu.memref_slice %arg3[%dma_start3A_405, %dma_start3A_406] : memref<1000000x64xf32, #tpu.memory_space<hbm>> -> memref<1000000x64xf32, #tpu.memory_space<hbm>>
    %dma_start3A_408 = tpu.memref_slice %arg14[%dma_start3A_402] : memref<8x!tpu.dma_semaphore, #tpu.memory_space<semaphore_mem>> -> memref<1x!tpu.dma_semaphore, #tpu.memory_space<semaphore_mem>>
    %dma_start3A_409 = tpu.memref_squeeze %dma_start3A_408 : memref<1x!tpu.dma_semaphore, #tpu.memory_space<semaphore_mem>> -> memref<!tpu.dma_semaphore, #tpu.memory_space<semaphore_mem>>
    tpu.enqueue_indirect_dma source(%dma_start3A_407 : memref<1000000x64xf32, #tpu.memory_space<hbm>>) target(%arg13 : memref<128x64xf32, #tpu.memory_space<vmem>>) offsets(%dma_start3A_404 : memref<128xi32, #tpu.memory_space<vmem>>) semaphore(%dma_start3A_409 : memref<!tpu.dma_semaphore, #tpu.memory_space<semaphore_mem>>)
    %dma_wait3A_410 = arith.constant 4 : i32
    %dma_wait3A_411 = arith.constant 0 : i32
    %dma_wait3A_412 = tpu.memref_slice %arg5[%dma_wait3A_411] : memref<13312xi32, #tpu.memory_space<vmem>> -> memref<128xi32, #tpu.memory_space<vmem>>
    %dma_wait3A_413 = arith.constant 0 : i32
    %dma_wait3A_414 = arith.constant 0 : i32
    %dma_wait3A_415 = tpu.memref_slice %arg3[%dma_wait3A_413, %dma_wait3A_414] : memref<1000000x64xf32, #tpu.memory_space<hbm>> -> memref<1000000x64xf32, #tpu.memory_space<hbm>>
    %dma_wait3A_416 = tpu.memref_slice %arg14[%dma_wait3A_410] : memref<8x!tpu.dma_semaphore, #tpu.memory_space<semaphore_mem>> -> memref<1x!tpu.dma_semaphore, #tpu.memory_space<semaphore_mem>>
    %dma_wait3A_417 = tpu.memref_squeeze %dma_wait3A_416 : memref<1x!tpu.dma_semaphore, #tpu.memory_space<semaphore_mem>> -> memref<!tpu.dma_semaphore, #tpu.memory_space<semaphore_mem>>
    tpu.wait_indirect_dma semaphore(%dma_wait3A_417 : memref<!tpu.dma_semaphore, #tpu.memory_space<semaphore_mem>>) src(%dma_wait3A_415 : memref<1000000x64xf32, #tpu.memory_space<hbm>>) dst(%arg10 : memref<128x64xf32, #tpu.memory_space<vmem>>)
    %add3A_418 = arith.constant 12800 : i32
    %add3A_419 = arith.addi %mul3A_2, %add3A_418 : i32
    %dma_start3A_420 = arith.constant 4 : i32
    %dma_start3A_421 = arith.constant 0 : i32
    %dma_start3A_422 = tpu.memref_slice %arg4[%add3A_419, %dma_start3A_421] : memref<425984x64xf32, #tpu.memory_space<hbm>> -> memref<128x64xf32, #tpu.memory_space<hbm>>
    %dma_start3A_423 = tpu.memref_slice %arg15[%dma_start3A_420] : memref<8x!tpu.dma_semaphore, #tpu.memory_space<semaphore_mem>> -> memref<1x!tpu.dma_semaphore, #tpu.memory_space<semaphore_mem>>
    %dma_start3A_424 = tpu.memref_squeeze %dma_start3A_423 : memref<1x!tpu.dma_semaphore, #tpu.memory_space<semaphore_mem>> -> memref<!tpu.dma_semaphore, #tpu.memory_space<semaphore_mem>>
    %dma_start3A_425 = arith.constant 0 : i32
    %dma_start3A_426 = tpu.memref_slice %arg4[%add3A_419, %dma_start3A_425] : memref<425984x64xf32, #tpu.memory_space<hbm>> -> memref<128x64xf32, #tpu.memory_space<hbm>>
    tpu.enqueue_dma source(%arg10 : memref<128x64xf32, #tpu.memory_space<vmem>>) target(%dma_start3A_426 : memref<128x64xf32, #tpu.memory_space<hbm>>) target_semaphore(%dma_start3A_424 : memref<!tpu.dma_semaphore, #tpu.memory_space<semaphore_mem>>)
    %dma_wait3A_427 = arith.constant 5 : i32
    %dma_wait3A_428 = arith.constant 0 : i32
    %dma_wait3A_429 = tpu.memref_slice %arg5[%dma_wait3A_428] : memref<13312xi32, #tpu.memory_space<vmem>> -> memref<128xi32, #tpu.memory_space<vmem>>
    %dma_wait3A_430 = arith.constant 0 : i32
    %dma_wait3A_431 = arith.constant 0 : i32
    %dma_wait3A_432 = tpu.memref_slice %arg3[%dma_wait3A_430, %dma_wait3A_431] : memref<1000000x64xf32, #tpu.memory_space<hbm>> -> memref<1000000x64xf32, #tpu.memory_space<hbm>>
    %dma_wait3A_433 = tpu.memref_slice %arg14[%dma_wait3A_427] : memref<8x!tpu.dma_semaphore, #tpu.memory_space<semaphore_mem>> -> memref<1x!tpu.dma_semaphore, #tpu.memory_space<semaphore_mem>>
    %dma_wait3A_434 = tpu.memref_squeeze %dma_wait3A_433 : memref<1x!tpu.dma_semaphore, #tpu.memory_space<semaphore_mem>> -> memref<!tpu.dma_semaphore, #tpu.memory_space<semaphore_mem>>
    tpu.wait_indirect_dma semaphore(%dma_wait3A_434 : memref<!tpu.dma_semaphore, #tpu.memory_space<semaphore_mem>>) src(%dma_wait3A_432 : memref<1000000x64xf32, #tpu.memory_space<hbm>>) dst(%arg11 : memref<128x64xf32, #tpu.memory_space<vmem>>)
    %add3A_435 = arith.constant 12928 : i32
    %add3A_436 = arith.addi %mul3A_2, %add3A_435 : i32
    %dma_start3A_437 = arith.constant 5 : i32
    %dma_start3A_438 = arith.constant 0 : i32
    %dma_start3A_439 = tpu.memref_slice %arg4[%add3A_436, %dma_start3A_438] : memref<425984x64xf32, #tpu.memory_space<hbm>> -> memref<128x64xf32, #tpu.memory_space<hbm>>
    %dma_start3A_440 = tpu.memref_slice %arg15[%dma_start3A_437] : memref<8x!tpu.dma_semaphore, #tpu.memory_space<semaphore_mem>> -> memref<1x!tpu.dma_semaphore, #tpu.memory_space<semaphore_mem>>
    %dma_start3A_441 = tpu.memref_squeeze %dma_start3A_440 : memref<1x!tpu.dma_semaphore, #tpu.memory_space<semaphore_mem>> -> memref<!tpu.dma_semaphore, #tpu.memory_space<semaphore_mem>>
    %dma_start3A_442 = arith.constant 0 : i32
    %dma_start3A_443 = tpu.memref_slice %arg4[%add3A_436, %dma_start3A_442] : memref<425984x64xf32, #tpu.memory_space<hbm>> -> memref<128x64xf32, #tpu.memory_space<hbm>>
    tpu.enqueue_dma source(%arg11 : memref<128x64xf32, #tpu.memory_space<vmem>>) target(%dma_start3A_443 : memref<128x64xf32, #tpu.memory_space<hbm>>) target_semaphore(%dma_start3A_441 : memref<!tpu.dma_semaphore, #tpu.memory_space<semaphore_mem>>)
    %dma_wait3A_444 = arith.constant 6 : i32
    %dma_wait3A_445 = arith.constant 0 : i32
    %dma_wait3A_446 = tpu.memref_slice %arg5[%dma_wait3A_445] : memref<13312xi32, #tpu.memory_space<vmem>> -> memref<128xi32, #tpu.memory_space<vmem>>
    %dma_wait3A_447 = arith.constant 0 : i32
    %dma_wait3A_448 = arith.constant 0 : i32
    %dma_wait3A_449 = tpu.memref_slice %arg3[%dma_wait3A_447, %dma_wait3A_448] : memref<1000000x64xf32, #tpu.memory_space<hbm>> -> memref<1000000x64xf32, #tpu.memory_space<hbm>>
    %dma_wait3A_450 = tpu.memref_slice %arg14[%dma_wait3A_444] : memref<8x!tpu.dma_semaphore, #tpu.memory_space<semaphore_mem>> -> memref<1x!tpu.dma_semaphore, #tpu.memory_space<semaphore_mem>>
    %dma_wait3A_451 = tpu.memref_squeeze %dma_wait3A_450 : memref<1x!tpu.dma_semaphore, #tpu.memory_space<semaphore_mem>> -> memref<!tpu.dma_semaphore, #tpu.memory_space<semaphore_mem>>
    tpu.wait_indirect_dma semaphore(%dma_wait3A_451 : memref<!tpu.dma_semaphore, #tpu.memory_space<semaphore_mem>>) src(%dma_wait3A_449 : memref<1000000x64xf32, #tpu.memory_space<hbm>>) dst(%arg12 : memref<128x64xf32, #tpu.memory_space<vmem>>)
    %add3A_452 = arith.constant 13056 : i32
    %add3A_453 = arith.addi %mul3A_2, %add3A_452 : i32
    %dma_start3A_454 = arith.constant 6 : i32
    %dma_start3A_455 = arith.constant 0 : i32
    %dma_start3A_456 = tpu.memref_slice %arg4[%add3A_453, %dma_start3A_455] : memref<425984x64xf32, #tpu.memory_space<hbm>> -> memref<128x64xf32, #tpu.memory_space<hbm>>
    %dma_start3A_457 = tpu.memref_slice %arg15[%dma_start3A_454] : memref<8x!tpu.dma_semaphore, #tpu.memory_space<semaphore_mem>> -> memref<1x!tpu.dma_semaphore, #tpu.memory_space<semaphore_mem>>
    %dma_start3A_458 = tpu.memref_squeeze %dma_start3A_457 : memref<1x!tpu.dma_semaphore, #tpu.memory_space<semaphore_mem>> -> memref<!tpu.dma_semaphore, #tpu.memory_space<semaphore_mem>>
    %dma_start3A_459 = arith.constant 0 : i32
    %dma_start3A_460 = tpu.memref_slice %arg4[%add3A_453, %dma_start3A_459] : memref<425984x64xf32, #tpu.memory_space<hbm>> -> memref<128x64xf32, #tpu.memory_space<hbm>>
    tpu.enqueue_dma source(%arg12 : memref<128x64xf32, #tpu.memory_space<vmem>>) target(%dma_start3A_460 : memref<128x64xf32, #tpu.memory_space<hbm>>) target_semaphore(%dma_start3A_458 : memref<!tpu.dma_semaphore, #tpu.memory_space<semaphore_mem>>)
    %dma_wait3A_461 = arith.constant 7 : i32
    %dma_wait3A_462 = arith.constant 0 : i32
    %dma_wait3A_463 = tpu.memref_slice %arg5[%dma_wait3A_462] : memref<13312xi32, #tpu.memory_space<vmem>> -> memref<128xi32, #tpu.memory_space<vmem>>
    %dma_wait3A_464 = arith.constant 0 : i32
    %dma_wait3A_465 = arith.constant 0 : i32
    %dma_wait3A_466 = tpu.memref_slice %arg3[%dma_wait3A_464, %dma_wait3A_465] : memref<1000000x64xf32, #tpu.memory_space<hbm>> -> memref<1000000x64xf32, #tpu.memory_space<hbm>>
    %dma_wait3A_467 = tpu.memref_slice %arg14[%dma_wait3A_461] : memref<8x!tpu.dma_semaphore, #tpu.memory_space<semaphore_mem>> -> memref<1x!tpu.dma_semaphore, #tpu.memory_space<semaphore_mem>>
    %dma_wait3A_468 = tpu.memref_squeeze %dma_wait3A_467 : memref<1x!tpu.dma_semaphore, #tpu.memory_space<semaphore_mem>> -> memref<!tpu.dma_semaphore, #tpu.memory_space<semaphore_mem>>
    tpu.wait_indirect_dma semaphore(%dma_wait3A_468 : memref<!tpu.dma_semaphore, #tpu.memory_space<semaphore_mem>>) src(%dma_wait3A_466 : memref<1000000x64xf32, #tpu.memory_space<hbm>>) dst(%arg13 : memref<128x64xf32, #tpu.memory_space<vmem>>)
    %add3A_469 = arith.constant 13184 : i32
    %add3A_470 = arith.addi %mul3A_2, %add3A_469 : i32
    %dma_start3A_471 = arith.constant 7 : i32
    %dma_start3A_472 = arith.constant 0 : i32
    %dma_start3A_473 = tpu.memref_slice %arg4[%add3A_470, %dma_start3A_472] : memref<425984x64xf32, #tpu.memory_space<hbm>> -> memref<128x64xf32, #tpu.memory_space<hbm>>
    %dma_start3A_474 = tpu.memref_slice %arg15[%dma_start3A_471] : memref<8x!tpu.dma_semaphore, #tpu.memory_space<semaphore_mem>> -> memref<1x!tpu.dma_semaphore, #tpu.memory_space<semaphore_mem>>
    %dma_start3A_475 = tpu.memref_squeeze %dma_start3A_474 : memref<1x!tpu.dma_semaphore, #tpu.memory_space<semaphore_mem>> -> memref<!tpu.dma_semaphore, #tpu.memory_space<semaphore_mem>>
    %dma_start3A_476 = arith.constant 0 : i32
    %dma_start3A_477 = tpu.memref_slice %arg4[%add3A_470, %dma_start3A_476] : memref<425984x64xf32, #tpu.memory_space<hbm>> -> memref<128x64xf32, #tpu.memory_space<hbm>>
    tpu.enqueue_dma source(%arg13 : memref<128x64xf32, #tpu.memory_space<vmem>>) target(%dma_start3A_477 : memref<128x64xf32, #tpu.memory_space<hbm>>) target_semaphore(%dma_start3A_475 : memref<!tpu.dma_semaphore, #tpu.memory_space<semaphore_mem>>)
    %dma_wait3A_478 = arith.constant 0 : i32
    %dma_wait3A_479 = arith.constant 0 : i32
    %dma_wait3A_480 = arith.constant 0 : i32
    %dma_wait3A_481 = tpu.memref_slice %arg4[%dma_wait3A_479, %dma_wait3A_480] : memref<425984x64xf32, #tpu.memory_space<hbm>> -> memref<128x64xf32, #tpu.memory_space<hbm>>
    %dma_wait3A_482 = tpu.memref_slice %arg15[%dma_wait3A_478] : memref<8x!tpu.dma_semaphore, #tpu.memory_space<semaphore_mem>> -> memref<1x!tpu.dma_semaphore, #tpu.memory_space<semaphore_mem>>
    %dma_wait3A_483 = tpu.memref_squeeze %dma_wait3A_482 : memref<1x!tpu.dma_semaphore, #tpu.memory_space<semaphore_mem>> -> memref<!tpu.dma_semaphore, #tpu.memory_space<semaphore_mem>>
    %dma_wait3A_484 = arith.constant 0 : i32
    %dma_wait3A_485 = arith.constant 0 : i32
    %dma_wait3A_486 = tpu.memref_slice %arg4[%dma_wait3A_484, %dma_wait3A_485] : memref<425984x64xf32, #tpu.memory_space<hbm>> -> memref<128x64xf32, #tpu.memory_space<hbm>>
    tpu.wait_dma2 semaphore(%dma_wait3A_483 : memref<!tpu.dma_semaphore, #tpu.memory_space<semaphore_mem>>) src(%arg6 : memref<128x64xf32, #tpu.memory_space<vmem>>) dst(%dma_wait3A_486 : memref<128x64xf32, #tpu.memory_space<hbm>>)
    %dma_wait3A_487 = arith.constant 1 : i32
    %dma_wait3A_488 = arith.constant 0 : i32
    %dma_wait3A_489 = arith.constant 0 : i32
    %dma_wait3A_490 = tpu.memref_slice %arg4[%dma_wait3A_488, %dma_wait3A_489] : memref<425984x64xf32, #tpu.memory_space<hbm>> -> memref<128x64xf32, #tpu.memory_space<hbm>>
    %dma_wait3A_491 = tpu.memref_slice %arg15[%dma_wait3A_487] : memref<8x!tpu.dma_semaphore, #tpu.memory_space<semaphore_mem>> -> memref<1x!tpu.dma_semaphore, #tpu.memory_space<semaphore_mem>>
    %dma_wait3A_492 = tpu.memref_squeeze %dma_wait3A_491 : memref<1x!tpu.dma_semaphore, #tpu.memory_space<semaphore_mem>> -> memref<!tpu.dma_semaphore, #tpu.memory_space<semaphore_mem>>
    %dma_wait3A_493 = arith.constant 0 : i32
    %dma_wait3A_494 = arith.constant 0 : i32
    %dma_wait3A_495 = tpu.memref_slice %arg4[%dma_wait3A_493, %dma_wait3A_494] : memref<425984x64xf32, #tpu.memory_space<hbm>> -> memref<128x64xf32, #tpu.memory_space<hbm>>
    tpu.wait_dma2 semaphore(%dma_wait3A_492 : memref<!tpu.dma_semaphore, #tpu.memory_space<semaphore_mem>>) src(%arg7 : memref<128x64xf32, #tpu.memory_space<vmem>>) dst(%dma_wait3A_495 : memref<128x64xf32, #tpu.memory_space<hbm>>)
    %dma_wait3A_496 = arith.constant 2 : i32
    %dma_wait3A_497 = arith.constant 0 : i32
    %dma_wait3A_498 = arith.constant 0 : i32
    %dma_wait3A_499 = tpu.memref_slice %arg4[%dma_wait3A_497, %dma_wait3A_498] : memref<425984x64xf32, #tpu.memory_space<hbm>> -> memref<128x64xf32, #tpu.memory_space<hbm>>
    %dma_wait3A_500 = tpu.memref_slice %arg15[%dma_wait3A_496] : memref<8x!tpu.dma_semaphore, #tpu.memory_space<semaphore_mem>> -> memref<1x!tpu.dma_semaphore, #tpu.memory_space<semaphore_mem>>
    %dma_wait3A_501 = tpu.memref_squeeze %dma_wait3A_500 : memref<1x!tpu.dma_semaphore, #tpu.memory_space<semaphore_mem>> -> memref<!tpu.dma_semaphore, #tpu.memory_space<semaphore_mem>>
    %dma_wait3A_502 = arith.constant 0 : i32
    %dma_wait3A_503 = arith.constant 0 : i32
    %dma_wait3A_504 = tpu.memref_slice %arg4[%dma_wait3A_502, %dma_wait3A_503] : memref<425984x64xf32, #tpu.memory_space<hbm>> -> memref<128x64xf32, #tpu.memory_space<hbm>>
    tpu.wait_dma2 semaphore(%dma_wait3A_501 : memref<!tpu.dma_semaphore, #tpu.memory_space<semaphore_mem>>) src(%arg8 : memref<128x64xf32, #tpu.memory_space<vmem>>) dst(%dma_wait3A_504 : memref<128x64xf32, #tpu.memory_space<hbm>>)
    %dma_wait3A_505 = arith.constant 3 : i32
    %dma_wait3A_506 = arith.constant 0 : i32
    %dma_wait3A_507 = arith.constant 0 : i32
    %dma_wait3A_508 = tpu.memref_slice %arg4[%dma_wait3A_506, %dma_wait3A_507] : memref<425984x64xf32, #tpu.memory_space<hbm>> -> memref<128x64xf32, #tpu.memory_space<hbm>>
    %dma_wait3A_509 = tpu.memref_slice %arg15[%dma_wait3A_505] : memref<8x!tpu.dma_semaphore, #tpu.memory_space<semaphore_mem>> -> memref<1x!tpu.dma_semaphore, #tpu.memory_space<semaphore_mem>>
    %dma_wait3A_510 = tpu.memref_squeeze %dma_wait3A_509 : memref<1x!tpu.dma_semaphore, #tpu.memory_space<semaphore_mem>> -> memref<!tpu.dma_semaphore, #tpu.memory_space<semaphore_mem>>
    %dma_wait3A_511 = arith.constant 0 : i32
    %dma_wait3A_512 = arith.constant 0 : i32
    %dma_wait3A_513 = tpu.memref_slice %arg4[%dma_wait3A_511, %dma_wait3A_512] : memref<425984x64xf32, #tpu.memory_space<hbm>> -> memref<128x64xf32, #tpu.memory_space<hbm>>
    tpu.wait_dma2 semaphore(%dma_wait3A_510 : memref<!tpu.dma_semaphore, #tpu.memory_space<semaphore_mem>>) src(%arg9 : memref<128x64xf32, #tpu.memory_space<vmem>>) dst(%dma_wait3A_513 : memref<128x64xf32, #tpu.memory_space<hbm>>)
    %dma_wait3A_514 = arith.constant 4 : i32
    %dma_wait3A_515 = arith.constant 0 : i32
    %dma_wait3A_516 = arith.constant 0 : i32
    %dma_wait3A_517 = tpu.memref_slice %arg4[%dma_wait3A_515, %dma_wait3A_516] : memref<425984x64xf32, #tpu.memory_space<hbm>> -> memref<128x64xf32, #tpu.memory_space<hbm>>
    %dma_wait3A_518 = tpu.memref_slice %arg15[%dma_wait3A_514] : memref<8x!tpu.dma_semaphore, #tpu.memory_space<semaphore_mem>> -> memref<1x!tpu.dma_semaphore, #tpu.memory_space<semaphore_mem>>
    %dma_wait3A_519 = tpu.memref_squeeze %dma_wait3A_518 : memref<1x!tpu.dma_semaphore, #tpu.memory_space<semaphore_mem>> -> memref<!tpu.dma_semaphore, #tpu.memory_space<semaphore_mem>>
    %dma_wait3A_520 = arith.constant 0 : i32
    %dma_wait3A_521 = arith.constant 0 : i32
    %dma_wait3A_522 = tpu.memref_slice %arg4[%dma_wait3A_520, %dma_wait3A_521] : memref<425984x64xf32, #tpu.memory_space<hbm>> -> memref<128x64xf32, #tpu.memory_space<hbm>>
    tpu.wait_dma2 semaphore(%dma_wait3A_519 : memref<!tpu.dma_semaphore, #tpu.memory_space<semaphore_mem>>) src(%arg10 : memref<128x64xf32, #tpu.memory_space<vmem>>) dst(%dma_wait3A_522 : memref<128x64xf32, #tpu.memory_space<hbm>>)
    %dma_wait3A_523 = arith.constant 5 : i32
    %dma_wait3A_524 = arith.constant 0 : i32
    %dma_wait3A_525 = arith.constant 0 : i32
    %dma_wait3A_526 = tpu.memref_slice %arg4[%dma_wait3A_524, %dma_wait3A_525] : memref<425984x64xf32, #tpu.memory_space<hbm>> -> memref<128x64xf32, #tpu.memory_space<hbm>>
    %dma_wait3A_527 = tpu.memref_slice %arg15[%dma_wait3A_523] : memref<8x!tpu.dma_semaphore, #tpu.memory_space<semaphore_mem>> -> memref<1x!tpu.dma_semaphore, #tpu.memory_space<semaphore_mem>>
    %dma_wait3A_528 = tpu.memref_squeeze %dma_wait3A_527 : memref<1x!tpu.dma_semaphore, #tpu.memory_space<semaphore_mem>> -> memref<!tpu.dma_semaphore, #tpu.memory_space<semaphore_mem>>
    %dma_wait3A_529 = arith.constant 0 : i32
    %dma_wait3A_530 = arith.constant 0 : i32
    %dma_wait3A_531 = tpu.memref_slice %arg4[%dma_wait3A_529, %dma_wait3A_530] : memref<425984x64xf32, #tpu.memory_space<hbm>> -> memref<128x64xf32, #tpu.memory_space<hbm>>
    tpu.wait_dma2 semaphore(%dma_wait3A_528 : memref<!tpu.dma_semaphore, #tpu.memory_space<semaphore_mem>>) src(%arg11 : memref<128x64xf32, #tpu.memory_space<vmem>>) dst(%dma_wait3A_531 : memref<128x64xf32, #tpu.memory_space<hbm>>)
    %dma_wait3A_532 = arith.constant 6 : i32
    %dma_wait3A_533 = arith.constant 0 : i32
    %dma_wait3A_534 = arith.constant 0 : i32
    %dma_wait3A_535 = tpu.memref_slice %arg4[%dma_wait3A_533, %dma_wait3A_534] : memref<425984x64xf32, #tpu.memory_space<hbm>> -> memref<128x64xf32, #tpu.memory_space<hbm>>
    %dma_wait3A_536 = tpu.memref_slice %arg15[%dma_wait3A_532] : memref<8x!tpu.dma_semaphore, #tpu.memory_space<semaphore_mem>> -> memref<1x!tpu.dma_semaphore, #tpu.memory_space<semaphore_mem>>
    %dma_wait3A_537 = tpu.memref_squeeze %dma_wait3A_536 : memref<1x!tpu.dma_semaphore, #tpu.memory_space<semaphore_mem>> -> memref<!tpu.dma_semaphore, #tpu.memory_space<semaphore_mem>>
    %dma_wait3A_538 = arith.constant 0 : i32
    %dma_wait3A_539 = arith.constant 0 : i32
    %dma_wait3A_540 = tpu.memref_slice %arg4[%dma_wait3A_538, %dma_wait3A_539] : memref<425984x64xf32, #tpu.memory_space<hbm>> -> memref<128x64xf32, #tpu.memory_space<hbm>>
    tpu.wait_dma2 semaphore(%dma_wait3A_537 : memref<!tpu.dma_semaphore, #tpu.memory_space<semaphore_mem>>) src(%arg12 : memref<128x64xf32, #tpu.memory_space<vmem>>) dst(%dma_wait3A_540 : memref<128x64xf32, #tpu.memory_space<hbm>>)
    %dma_wait3A_541 = arith.constant 7 : i32
    %dma_wait3A_542 = arith.constant 0 : i32
    %dma_wait3A_543 = arith.constant 0 : i32
    %dma_wait3A_544 = tpu.memref_slice %arg4[%dma_wait3A_542, %dma_wait3A_543] : memref<425984x64xf32, #tpu.memory_space<hbm>> -> memref<128x64xf32, #tpu.memory_space<hbm>>
    %dma_wait3A_545 = tpu.memref_slice %arg15[%dma_wait3A_541] : memref<8x!tpu.dma_semaphore, #tpu.memory_space<semaphore_mem>> -> memref<1x!tpu.dma_semaphore, #tpu.memory_space<semaphore_mem>>
    %dma_wait3A_546 = tpu.memref_squeeze %dma_wait3A_545 : memref<1x!tpu.dma_semaphore, #tpu.memory_space<semaphore_mem>> -> memref<!tpu.dma_semaphore, #tpu.memory_space<semaphore_mem>>
    %dma_wait3A_547 = arith.constant 0 : i32
    %dma_wait3A_548 = arith.constant 0 : i32
    %dma_wait3A_549 = tpu.memref_slice %arg4[%dma_wait3A_547, %dma_wait3A_548] : memref<425984x64xf32, #tpu.memory_space<hbm>> -> memref<128x64xf32, #tpu.memory_space<hbm>>
    tpu.wait_dma2 semaphore(%dma_wait3A_546 : memref<!tpu.dma_semaphore, #tpu.memory_space<semaphore_mem>>) src(%arg13 : memref<128x64xf32, #tpu.memory_space<vmem>>) dst(%dma_wait3A_549 : memref<128x64xf32, #tpu.memory_space<hbm>>)
    return
  }
}

</mosaic_0001>

<sc_bundles>
// kernel: kernel.3.cloned.1.call-start
scs
__scs_entry_jumppad:
0x0: {  	(pc) =	sbr.rel $0x88, $3  }
0x1: {  	(tag) =	ssettag $0x0;
	lr =	simm.s32 $0x1  }
0x2: {  	[smem:$0x3F9F] =	sst lr;
	_ =	strace $0xD0000000  }
0x3: {  	_ = 	snop  }
0x4: {  	_ = 	snop  }
0x5: {  	_ = 	snop  }
0x6: {  	_ = 	snop  }
0x7: {  	_ = 	snop  }
__scs_overlays_trampoline_lowered:
0x8: {  	[smem:$0x3FAE] =	sst s0  }
0x9: {  	[smem:$0x3FAF] =	sst s1  }
0xa: {  	[smem:$0x3FB0] =	sst s2  }
0xb: {  	[smem:$0x3FB1] =	sst s3  }
0xc: {  	[smem:$0x3FB2] =	sst s4  }
0xd: {  	[smem:$0x3FB3] =	sst s5  }
0xe: {  	[smem:$0x3FB4] =	sst s6  }
0xf: {  	[smem:$0x3FB5] =	sst s7  }
0x10: {  	[smem:$0x3FB6] =	sst s8  }
0x11: {  	[smem:$0x3FB7] =	sst s9;
	s0 =	simm.s32 @!p0 $0x0  }
0x12: {  	s1 =	sld [smem:$0x3F9D];
	s0 =	simm.s32 @p0 $0x1  }
0x13: {  	[smem:$0x3FB8] =	sst s0;
	s0 =	simm.s32 @!p1 $0x0  }
0x14: {  	s2 =	sld [smem:$0x3F9C];
	s0 =	simm.s32 @p1 $0x1  }
0x15: {  	[smem:$0x3FB9] =	sst s0;
	s0 =	simm.s32 @!p2 $0x0  }
0x16: {  	s3 =	sld [smem:$0x3FDB];
	s0 =	simm.s32 @p2 $0x1  }
0x17: {  	s4 =	simm.s32 $0x1BF5;
	[smem:$0x3FBB] =	sst s0  }
0x18: {  	s0 =	sld [smem:$0x3F9E];
	_ =	swait.ge [sflag:s4], $0x0  }
0x19: {  	s7 =	sld [smem:$0x3F9F]  }
0x1a: {  	s8 =	sadd.s32 $0xFFFFE003, lr  }
0x1b: {  	s9 =	sadd.s32 $0xFFFFFEF7, lr;
	s5 =	simm.s32 $0xFFFFFFFF;
	p2 =	slt.u32 s8, $0xFFFFF086  }
0x1c: {  	p1 =	slt.u32 s9, $0xF7A;
	s5 =	simm.s32 @!p2 $0x0  }
0x1d: {  	s5 =	simm.s32 @p1 $0x1;
	p0 =	seq.s32 s7, s2  }
0x1e: {  	s7 =	smul.u32 @!p0 $0xF7A, s2;
	p2 =	seq.s32 @!p0 s5, $0x0  }
0x1f: {  	s9 =	smul.u32 $0xF7A, s1;
	s8 =	simm.s32 @!p0 $0x1BF5;
	p2 =	por !p2, p0  }
0x20: {  	[sflag:s8] =	ssyncset.s32 @!p0 $0xFFFFF086;
	s6 =	sadd.s32 @!p0 s3, s7;
	s7 =	simm.s32 @!p0 $0x108  }
0x21: {  	s3 =	sadd.s32 s3, s9;
	s6 =	sadd.s32 @!p0 $0x88, s6;
	s7 =	simm.s32 @p2 $0x1082  }
0x22: {  	[simem:s7], [sflag:s8] =	dma.local @!p0 [hbm:s6], $0xF7A  }
0x23: {  	s9 =	sor.u32 $0xD0000000, s2;
	s6 =	simm.s32 $0x108;
	_ =	swait.ge @!p0 [sflag:s8], $0x0  }
0x24: {  	s3 =	sadd.s32 $0x88, s3;
	s6 =	simm.s32 @!p1 $0x1082;
	[sflag:s4] =	ssyncset.s32 $0xFFFFF086  }
0x25: {  	[simem:s6], [sflag:s4] =	dma.local [hbm:s3], $0xF7A  }
0x26: {  	[smem:$0x3F9F] =	sst s1;
	(tag) =	ssettag s2;
	_ =	strace s9  }
0x27: {  	s1 =	sld [smem:$0x3FAF]  }
0x28: {  	s2 =	sld [smem:$0x3FB0]  }
0x29: {  	s4 =	sld [smem:$0x3FB2]  }
0x2a: {  	p0 =	seq.s32 s5, $0x0;
	s5 =	sld [smem:$0x3FB3]  }
0x2b: {  	s6 =	sld [smem:$0x3FB4]  }
0x2c: {  	s7 =	sld [smem:$0x3FB5]  }
0x2d: {  	s3 =	simm.s32 $0x108;
	s8 =	sld [smem:$0x3FB6]  }
0x2e: {  	s3 =	simm.s32 @!p0 $0x1082;
	s9 =	sld [smem:$0x3FB7]  }
0x2f: {  	lr =	sadd.s32 s0, s3;
	s0 =	sld [smem:$0x3FAE]  }
0x30: {  	s3 =	sld [smem:$0x3FB1]  }
0x31: {  	[smem:$0x3FBA] =	sst s10  }
0x32: {  	s10 =	sld [smem:$0x3FB8];
	_ =	sdelay $0x3  }
0x33: {  	p0 =	seq.s32 s10, $0x1;
	s10 =	sld [smem:$0x3FBA];
	_ =	sdelay $0x3  }
0x34: {  	[smem:$0x3FBA] =	sst s10  }
0x35: {  	s10 =	sld [smem:$0x3FB9];
	_ =	sdelay $0x3  }
0x36: {  	p1 =	seq.s32 s10, $0x1;
	s10 =	sld [smem:$0x3FBA];
	_ =	sdelay $0x3  }
0x37: {  	[smem:$0x3FBA] =	sst s10  }
0x38: {  	s10 =	sld [smem:$0x3FBB]  }
0x39: {  	_ = 	snop;
	(pc) =	sbr.ind lr, $3  }
0x3a: {  	_ = 	snop  }
0x3b: {  	_ = 	snop  }
0x3c: {  	p2 =	seq.s32 s10, $0x1;
	s10 =	sld [smem:$0x3FBA]  }
0x3d: {  	_ =	shalt  }
0x3e: {  	_ =	shalt  }
0x3f: {  	_ =	shalt  }
0x40: {  	_ =	shalt  }
0x41: {  	_ =	shalt  }
0x42: {  	_ =	shalt  }
0x43: {  	_ =	shalt  }
0x44: {  	_ =	shalt  }
0x45: {  	_ =	shalt  }
0x46: {  	_ =	shalt  }
0x47: {  	_ =	shalt  }
0x48: {  	_ =	shalt  }
0x49: {  	_ =	shalt  }
0x4a: {  	_ =	shalt  }
0x4b: {  	_ =	shalt  }
0x4c: {  	_ =	shalt  }
0x4d: {  	_ =	shalt  }
0x4e: {  	_ =	shalt  }
0x4f: {  	_ =	shalt  }
0x50: {  	_ =	shalt  }
0x51: {  	_ =	shalt  }
0x52: {  	_ =	shalt  }
0x53: {  	_ =	shalt  }
0x54: {  	_ =	shalt  }
0x55: {  	_ =	shalt  }
0x56: {  	_ =	shalt  }
0x57: {  	_ =	shalt  }
0x58: {  	_ =	shalt  }
0x59: {  	_ =	shalt  }
0x5a: {  	_ =	shalt  }
0x5b: {  	_ =	shalt  }
0x5c: {  	_ =	shalt  }
0x5d: {  	_ =	shalt  }
0x5e: {  	_ =	shalt  }
0x5f: {  	_ =	shalt  }
0x60: {  	_ =	shalt  }
0x61: {  	_ =	shalt  }
0x62: {  	_ =	shalt  }
0x63: {  	_ =	shalt  }
0x64: {  	_ =	shalt  }
0x65: {  	_ =	shalt  }
0x66: {  	_ =	shalt  }
0x67: {  	_ =	shalt  }
0x68: {  	_ =	shalt  }
0x69: {  	_ =	shalt  }
0x6a: {  	_ =	shalt  }
0x6b: {  	_ =	shalt  }
0x6c: {  	_ =	shalt  }
0x6d: {  	_ =	shalt  }
0x6e: {  	_ =	shalt  }
0x6f: {  	_ =	shalt  }
0x70: {  	_ =	shalt  }
0x71: {  	_ =	shalt  }
0x72: {  	_ =	shalt  }
0x73: {  	_ =	shalt  }
0x74: {  	_ =	shalt  }
0x75: {  	_ =	shalt  }
0x76: {  	_ =	shalt  }
0x77: {  	_ =	shalt  }
0x78: {  	_ =	shalt  }
0x79: {  	_ =	shalt  }
0x7a: {  	_ =	shalt  }
0x7b: {  	_ =	shalt  }
0x7c: {  	_ =	shalt  }
0x7d: {  	_ =	shalt  }
0x7e: {  	_ =	shalt  }
0x7f: {  	_ =	shalt  }
0x80: {  	_ =	shalt  }
0x81: {  	_ =	shalt  }
0x82: {  	_ =	shalt  }
0x83: {  	_ =	shalt  }
0x84: {  	_ =	shalt  }
0x85: {  	_ =	shalt  }
0x86: {  	_ =	shalt  }
0x87: {  	_ =	shalt  }
.Lfunc_end0:
.L_simem_size_0:
called_computation.1_lowered:
.L_overlay_start_0:
0x88: {  	s2 =	sld [smem:$0x3FD9]  }
0x89: {  	s3 =	sld [smem:$0x3FFE];
	_ =	sdelay $0x1  }
0x8a: {  	s1 =	srdreg.scid  }
0x8b: {  	s0 =	sand.u32 $0x1, s1  }
0x8c: {  	s17 =	sshll.u32 s0, $0xA;
	s2 =	sadd.s32 s3, s2  }
0x8d: {  	s2 =	sadd.s32 s2, s17  }
0x8e: {  	[smem:$0x3FC6] =	sst s2  }
0x8f: {  	_ = 	snop  }
0x90: {  	s2 =	sld [smem:$0x3FD0];
	(tm) =	ssettm $0x1  }
0x91: {  	s18 =	sld [smem:$0x3FFB];
	_ =	sdelay $0x3  }
0x92: {  	_ =	strace s18  }
0x93: {  	s3 =	sld [smem:$0x3FFC];
	_ =	sdelay $0x3  }
0x94: {  	_ =	strace s3  }
0x95: {  	s3 =	sld [smem:$0x3FFD];
	_ =	sdelay $0x3  }
0x96: {  	_ =	strace s3  }
0x97: {  	_ =	strace $0x8FFFFFFF  }
0x98: {  	s19 =	sld [smem:$0x3FDB];
	_ =	sdelay $0x1  }
0x99: {  	s4 =	simm.s32 $_scs_section_size  }
0x9a: {  	s5 =	simm.s32 $_size__tile_overlayer_lowered;
	s6 =	simm.s32 $_tile_overlayer_lowered  }
0x9b: {  	s22 =	simm.s32 $0x1BFF;
	s21 =	sshll.u32 s6, $0x1;
	s3 =	sadd.s32 s4, s19  }
0x9c: {  	s7 =	simm.s32 $0x0;
	s20 =	sshll.u32 s5, $0x1;
	s5 =	sadd.s32 s21, s3  }
0x9d: {  	[timem:s7], [sflag:s22] =	dma.local [hbm:s5], s20  }
0x9e: {  	_ =	swait.ge [sflag:s22], s20  }
0x9f: {  	s4 =	ssub.s32 $0x0, s20;
	[sflag:s22] =	ssyncset.done $0x0  }
0xa0: {  	[sflag:s22] =	ssyncadd.s32 s4;
	_ =	sdelay $0x1  }
0xa1: {  	s23 =	simm.s32 $0x1B8B  }
0xa2: {  	_ =	swait.ge [sflag:s23], $0x1  }
0xa3: {  	[sflag:s23] =	ssyncset.done $0x0  }
0xa4: {  	s25 =	simm.s32 $0x1B8E;
	s24 =	sld [smem:$0x3FFE];
	[sflag:s23] =	ssyncadd.s32 $0xFFFFFFFF  }
0xa5: {  	s26 =	simm.s32 $execute0_lowered;
	[smem:$0x3FD2] =	sst s25  }
0xa6: {  	s5 =	sshll.u32 s26, $0x1;
	_ =	strace $0x80000046;
	[dreg:$0x1] =	wrdreg $0xFFFFFFFF  }
0xa7: {  	s28 =	simm.s32 $_size_execute0_lowered;
	s3 =	sadd.s32 s3, s5;
	[dreg:$0x0] =	wrdreg $0x0  }
0xa8: {  	s5 =	sshll.u32 s28, $0x1;
	[dreg:$0x2] =	wrdreg s3  }
0xa9: {  	[dreg:$0x3] =	wrdreg s5  }
0xaa: {  	[dreg:$0x4] =	wrdreg $0xC0  }
0xab: {  	_ =	task [dreg:s7], $0x5FFFF  }
0xac: {  	[dreg:$0x1] =	wrdreg $0xFFFFFFFF  }
0xad: {  	[dreg:$0x0] =	wrdreg $0x60  }
0xae: {  	[dreg:$0x2] =	wrdreg s24  }
0xaf: {  	[dreg:$0x3] =	wrdreg s2  }
0xb0: {  	[dreg:$0x4] =	wrdreg $0x9  }
0xb1: {  	_ =	task.clear_ibuf [dreg:s7], $0x5FFFF;
	_ =	strace $0x90000046  }
0xb2: {  	s29 =	simm.s32 $0x9;
	_ =	strace $0x80000048  }
0xb3: {  	_ =	swait.ge [sflag:s29], $0x1  }
0xb4: {  	[sflag:s29] =	ssyncadd.s32 $0xFFFFFFFF  }
0xb5: {  	_ =	strace $0x90000048  }
0xb6: {  	_ =	sfence  }
0xb7: {  	s30 =	sld [smem:$0x0];
	_ =	sdelay $0x2  }
0xb8: {  	s31 =	sshll.u32 s1, $0xD;
	s1 =	sshrl.u32 s1, $0x2  }
0xb9: {  	s3 =	sand.u32 $0x4000, s31;
	s1 =	sadd.s32 s1, s30  }
0xba: {  	s0 =	sor.u32 s3, s0;
	s1 =	sshll.u32 s1, $0x11  }
0xbb: {  	s0 =	sor.u32 s1, s0  }
0xbc: {  	s0 =	sadd.s32 $0x8F2B, s0  }
0xbd: {  	[sflag:s0] =	ssyncadd.remote.s32 $0x1  }
0xbe: {  	_ =	sfence.sel $0xFFFF  }
0xbf: {  	[dreg:$0x0] =	wrdreg $0xFFFFFFFF;
	(pc) =	sbr.abs _section_cstart, $3  }
0xc0: {  	[dreg:$0x1] =	wrdreg $0xFFFFFFFF  }
0xc1: {  	_ =	task.clear_ibuf [dreg:s7], $0x2FFFF;
	_ =	strace $0x9FFFFFFF  }
0xc2: {  	(tm) =	ssettm $0x7FFFFFFF  }
0xc3: {  	_ =	shalt  }
tec
execute0_lowered:
.L_overlay_start_1:
0x0: {  	(tag) =	ssettag $0x1  }
0x1: {  	s1 =	srdreg.scid;
	s9 =	stileid.u32  }
0x2: {  	s1 =	sand.u32 $0x1, s1;
	s19 =	smul.u32 $0x1A0000, s9  }
0x3: {  	s2 =	sshll.u32 s9, $0x1;
	s13 =	smul.u32 $0x3400, s1  }
0x4: {  	s2 =	sor.u32 s1, s2;
	s5 =	ssub.s32 $0x2, s1;
	s1 =	smul.u32 $0xD0000, s1  }
0x5: {  	s0 =	rddreg [dreg:$0x0];
	s3 =	simm.s32 $0x0;
	s4 =	smul.u32 $0x3400, s2  }
0x6: {  	[smem:$0x7FF] =	sst s3;
	s7 =	smul.u32 $0x1A000, s2  }
0x7: {  	s28 =	rddreg [dreg:$0x1];
	_ =	strace $0x80000047;
	s6 =	sshrl.u32 s5, $0x1  }
0x8: {  	s1 =	sadd.s32 s1, s19;
	s4 =	sshrl.u32 s4, $0x3;
	s7 =	sadd.s32 s28, s7  }
0x9: {  	s1 =	sadd.s32 $0x10000, s1;
	s8 =	sadd.s32 s4, s0;
	[dreg:$0xb] =	wrdreg s7  }
0xa: {  	s4 =	sadd.s32 $0xF42E00, s0;
	s31 =	sadd.s32 $0x400, s7;
	[dreg:$0x1c] =	wrdreg s1  }
0xb: {  	s0 =	ssub.s32 s5, s6;
	s6 =	sadd.s32 $0x800, s7;
	[dreg:$0xc] =	wrdreg s31  }
0xc: {  	s10 =	sadd.s32 $0x1000, s7;
	[dreg:$0xd] =	wrdreg s6  }
0xd: {  	s12 =	sadd.s32 $0x1400, s7;
	[dreg:$0xf] =	wrdreg s10  }
0xe: {  	s2 =	smul.u32 $0xD0000, s2;
	s14 =	sadd.s32 $0x1800, s7;
	[dreg:$0x10] =	wrdreg s12  }
0xf: {  	s11 =	smul.u32 $0x6800, s9;
	s30 =	sadd.s32 $0xA00, s8;
	[dreg:$0x11] =	wrdreg s14  }
0x10: {  	s2 =	sshrl.u32 s2, $0x3;
	s8 =	sadd.s32 $0xC00, s7;
	[dreg:$0xa] =	wrdreg s30  }
0x11: {  	s2 =	sadd.s32 s28, s2;
	s7 =	sadd.s32 $0x1C00, s7;
	[dreg:$0xe] =	wrdreg s8  }
0x12: {  	s9 =	simm.s32 $0x4;
	s15 =	sadd.s32 $0x18000, s2;
	[dreg:$0x12] =	wrdreg s7  }
0x13: {  	s19 =	simm.s32 $0xD;
	s16 =	sadd.s32 $0x18400, s2;
	[dreg:$0x13] =	wrdreg s15  }
0x14: {  	s5 =	sadd.s32 s13, s11;
	s17 =	sadd.s32 $0x18800, s2;
	[dreg:$0x14] =	wrdreg s16  }
0x15: {  	s11 =	simm.s32 $0x5;
	s18 =	sadd.s32 $0x18C00, s2;
	[dreg:$0x15] =	wrdreg s17  }
0x16: {  	s13 =	simm.s32 $0x6;
	s20 =	sadd.s32 $0x19000, s2;
	[dreg:$0x16] =	wrdreg s18  }
0x17: {  	s5 =	sshll.u32 s5, $0x3;
	s22 =	sadd.s32 $0x19400, s2;
	[dreg:$0x17] =	wrdreg s20  }
0x18: {  	s25 =	sadd.s32 $0x19800, s2;
	s2 =	sadd.s32 $0x19C00, s2;
	[dreg:$0x18] =	wrdreg s22  }
0x19: {  	s0 =	smax.u32 s0, $0x1;
	s12 =	simm.s32 $0x9;
	[dreg:$0x19] =	wrdreg s25  }
0x1a: {  	s14 =	simm.s32 $0xA;
	s21 =	sadd.s32 $0x2C00, s5;
	[dreg:$0x1a] =	wrdreg s2  }
0x1b: {  	s23 =	sadd.s32 $0x2800, s5;
	s24 =	sadd.s32 $0x2400, s5;
	[dreg:$0x1b] =	wrdreg s0  }
0x1c: {  	s26 =	sadd.s32 $0x3C00, s5;
	s29 =	sadd.s32 $0x3800, s5;
	[dreg:$0x3] =	wrdreg s21  }
0x1d: {  	s30 =	sadd.s32 $0x3400, s5;
	s31 =	sadd.s32 $0x3000, s5;
	[dreg:$0x4] =	wrdreg s23  }
0x1e: {  	s25 =	simm.s32 $0x80;
	s7 =	simm.s32 $0x3;
	[dreg:$0x5] =	wrdreg s24  }
0x1f: {  	s15 =	simm.s32 $0x7;
	s16 =	simm.s32 $0xB;
	[dreg:$0x6] =	wrdreg s26  }
0x20: {  	s17 =	simm.s32 $0x8;
	s18 =	simm.s32 $0xC;
	[dreg:$0x7] =	wrdreg s29  }
0x21: {  	s20 =	simm.s32 $0xE;
	s22 =	simm.s32 $0x10;
	[dreg:$0x8] =	wrdreg s30  }
0x22: {  	s0 =	simm.s32 $0x0;
	[dreg:$0x9] =	wrdreg s31;
	s21 =	simm.s32 $0xF  }
.LBB2_1:
0x23: {  	[dreg:$0x1d] =	wrdreg s0  }
0x24: {  	s2 =	rddreg [dreg:$0xa];
	s8 =	simm.s32 $0x11  }
0x25: {  	[tilespmem:s3], [sflag:$0x11] =	stream.linear.gather [hbm4b:s2+s3], $0x3400, $0x38;
	[tilespmem:$0x13400] =	vst v63  }
0x26: {  	_ =	swait.ge [sflag:s8], $0x3400  }
0x27: {  	[sflag:s8] =	ssyncset.done $0x0  }
0x28: {  	s23 =	simm.s32 $0x3400;
	[sflag:s8] =	ssyncadd.s32 $0xFFFFCC00  }
0x29: {  	[tilespmem:s23], [sflag:$0x1] =	stream.indirect.gather [hbm4b:s4+s25], $0x40, s3, s25, $0xb8;
	[tilespmem:$0x13400] =	vst v63  }
0x2a: {  	s1 =	simm.s32 $0x5400  }
0x2b: {  	[tilespmem:s1], [sflag:$0x2] =	stream.indirect.gather [hbm4b:s4+s25], $0x40, s25, s25, $0xb8;
	[tilespmem:$0x13400] =	vst v63  }
0x2c: {  	s10 =	simm.s32 $0x100;
	s24 =	simm.s32 $0x7400  }
0x2d: {  	[tilespmem:s24], [sflag:$0x3] =	stream.indirect.gather [hbm4b:s4+s25], $0x40, s10, s25, $0xb8;
	[tilespmem:$0x13400] =	vst v63  }
0x2e: {  	s26 =	simm.s32 $0x180;
	s5 =	simm.s32 $0x9400;
	s0 =	simm.s32 $0x1  }
0x2f: {  	[tilespmem:s5], [sflag:$0x4] =	stream.indirect.gather [hbm4b:s4+s25], $0x40, s26, s25, $0xb8;
	[tilespmem:$0x13400] =	vst v63  }
0x30: {  	_ =	swait.ge [sflag:s0], $0x2000  }
0x31: {  	[sflag:s0] =	ssyncset.done $0x0  }
0x32: {  	s29 =	rddreg [dreg:$0xb];
	[sflag:s0] =	ssyncadd.s32 $0xFFFFE000  }
0x33: {  	[hbm4b:s29+s3] =	stream.linear.scatter [tilespmem:s23], [sflag:$0x9], $0x2000, $0x38;
	[tilespmem:$0x13400] =	vst v63  }
0x34: {  	s30 =	simm.s32 $0x200;
	s26 =	simm.s32 $0xB400;
	s29 =	simm.s32 $0x2  }
0x35: {  	[tilespmem:s26], [sflag:$0x5] =	stream.indirect.gather [hbm4b:s4+s25], $0x40, s30, s25, $0xb8;
	[tilespmem:$0x13400] =	vst v63  }
0x36: {  	_ =	swait.ge [sflag:s29], $0x2000  }
0x37: {  	[sflag:s29] =	ssyncset.done $0x0  }
0x38: {  	s31 =	rddreg [dreg:$0xc];
	[sflag:s29] =	ssyncadd.s32 $0xFFFFE000  }
0x39: {  	[hbm4b:s31+s3] =	stream.linear.scatter [tilespmem:s1], [sflag:$0xA], $0x2000, $0x38;
	[tilespmem:$0x13400] =	vst v63  }
0x3a: {  	s6 =	simm.s32 $0x280;
	s8 =	simm.s32 $0xD400  }
0x3b: {  	[tilespmem:s8], [sflag:$0x6] =	stream.indirect.gather [hbm4b:s4+s25], $0x40, s6, s25, $0xb8;
	[tilespmem:$0x13400] =	vst v63  }
0x3c: {  	_ =	swait.ge [sflag:s7], $0x2000  }
0x3d: {  	[sflag:s7] =	ssyncset.done $0x0  }
0x3e: {  	s10 =	rddreg [dreg:$0xd];
	[sflag:s7] =	ssyncadd.s32 $0xFFFFE000  }
0x3f: {  	[hbm4b:s10+s3] =	stream.linear.scatter [tilespmem:s24], [sflag:$0xB], $0x2000, $0x38;
	[tilespmem:$0x13400] =	vst v63  }
0x40: {  	s30 =	simm.s32 $0x300;
	s10 =	simm.s32 $0xF400  }
0x41: {  	[tilespmem:s10], [sflag:$0x7] =	stream.indirect.gather [hbm4b:s4+s25], $0x40, s30, s25, $0xb8;
	[tilespmem:$0x13400] =	vst v63  }
0x42: {  	_ =	swait.ge [sflag:s9], $0x2000  }
0x43: {  	[sflag:s9] =	ssyncset.done $0x0  }
0x44: {  	s31 =	rddreg [dreg:$0xe];
	[sflag:s9] =	ssyncadd.s32 $0xFFFFE000  }
0x45: {  	[hbm4b:s31+s3] =	stream.linear.scatter [tilespmem:s5], [sflag:$0xC], $0x2000, $0x38;
	[tilespmem:$0x13400] =	vst v63  }
0x46: {  	s6 =	simm.s32 $0x380;
	s30 =	simm.s32 $0x11400  }
0x47: {  	[tilespmem:s30], [sflag:$0x8] =	stream.indirect.gather [hbm4b:s4+s25], $0x40, s6, s25, $0xb8;
	[tilespmem:$0x13400] =	vst v63  }
0x48: {  	_ =	swait.ge [sflag:s11], $0x2000  }
0x49: {  	[sflag:s11] =	ssyncset.done $0x0  }
0x4a: {  	s31 =	rddreg [dreg:$0xf];
	[sflag:s11] =	ssyncadd.s32 $0xFFFFE000  }
0x4b: {  	[hbm4b:s31+s3] =	stream.linear.scatter [tilespmem:s26], [sflag:$0xD], $0x2000, $0x38;
	[tilespmem:$0x13400] =	vst v63  }
0x4c: {  	_ =	swait.ge [sflag:s12], $0x2000  }
0x4d: {  	[sflag:s12] =	ssyncset.done $0x0  }
0x4e: {  	s6 =	simm.s32 $0x400;
	[sflag:s12] =	ssyncadd.s32 $0xFFFFE000  }
0x4f: {  	[tilespmem:s23], [sflag:$0x1] =	stream.indirect.gather [hbm4b:s4+s25], $0x40, s6, s25, $0xb8;
	[tilespmem:$0x13400] =	vst v63  }
0x50: {  	_ =	swait.ge [sflag:s13], $0x2000  }
0x51: {  	[sflag:s13] =	ssyncset.done $0x0  }
0x52: {  	s31 =	rddreg [dreg:$0x10];
	[sflag:s13] =	ssyncadd.s32 $0xFFFFE000  }
0x53: {  	[hbm4b:s31+s3] =	stream.linear.scatter [tilespmem:s8], [sflag:$0xE], $0x2000, $0x38;
	[tilespmem:$0x13400] =	vst v63  }
0x54: {  	_ =	swait.ge [sflag:s14], $0x2000  }
0x55: {  	[sflag:s14] =	ssyncset.done $0x0  }
0x56: {  	s6 =	simm.s32 $0x480;
	[sflag:s14] =	ssyncadd.s32 $0xFFFFE000  }
0x57: {  	[tilespmem:s1], [sflag:$0x2] =	stream.indirect.gather [hbm4b:s4+s25], $0x40, s6, s25, $0xb8;
	[tilespmem:$0x13400] =	vst v63  }
0x58: {  	_ =	swait.ge [sflag:s15], $0x2000  }
0x59: {  	[sflag:s15] =	ssyncset.done $0x0  }
0x5a: {  	s31 =	rddreg [dreg:$0x11];
	[sflag:s15] =	ssyncadd.s32 $0xFFFFE000  }
0x5b: {  	[hbm4b:s31+s3] =	stream.linear.scatter [tilespmem:s10], [sflag:$0xF], $0x2000, $0x38;
	[tilespmem:$0x13400] =	vst v63  }
0x5c: {  	_ =	swait.ge [sflag:s16], $0x2000  }
0x5d: {  	[sflag:s16] =	ssyncset.done $0x0  }
0x5e: {  	s6 =	simm.s32 $0x500;
	[sflag:s16] =	ssyncadd.s32 $0xFFFFE000  }
0x5f: {  	[tilespmem:s24], [sflag:$0x3] =	stream.indirect.gather [hbm4b:s4+s25], $0x40, s6, s25, $0xb8;
	[tilespmem:$0x13400] =	vst v63  }
0x60: {  	_ =	swait.ge [sflag:s17], $0x2000  }
0x61: {  	[sflag:s17] =	ssyncset.done $0x0  }
0x62: {  	s31 =	rddreg [dreg:$0x12];
	[sflag:s17] =	ssyncadd.s32 $0xFFFFE000  }
0x63: {  	[hbm4b:s31+s3] =	stream.linear.scatter [tilespmem:s30], [sflag:$0x10], $0x2000, $0x38;
	[tilespmem:$0x13400] =	vst v63  }
0x64: {  	_ =	swait.ge [sflag:s18], $0x2000  }
0x65: {  	[sflag:s18] =	ssyncset.done $0x0  }
0x66: {  	s6 =	simm.s32 $0x580;
	[sflag:s18] =	ssyncadd.s32 $0xFFFFE000  }
0x67: {  	[tilespmem:s5], [sflag:$0x4] =	stream.indirect.gather [hbm4b:s4+s25], $0x40, s6, s25, $0xb8;
	[tilespmem:$0x13400] =	vst v63  }
0x68: {  	_ =	swait.ge [sflag:s0], $0x2000  }
0x69: {  	s6 =	rddreg [dreg:$0x1c]  }
0x6a: {  	[sflag:s0] =	ssyncset.done $0x0;
	s31 =	sshrl.u32 s6, $0x3  }
0x6b: {  	[sflag:s0] =	ssyncadd.s32 $0xFFFFE000;
	s2 =	sadd.s32 s28, s31  }
0x6c: {  	[hbm4b:s2+s3] =	stream.linear.scatter [tilespmem:s23], [sflag:$0x9], $0x2000, $0x38;
	[tilespmem:$0x13400] =	vst v63  }
0x6d: {  	_ =	swait.ge [sflag:s19], $0x2000  }
0x6e: {  	[sflag:s19] =	ssyncset.done $0x0  }
0x6f: {  	s0 =	simm.s32 $0x600;
	[sflag:s19] =	ssyncadd.s32 $0xFFFFE000  }
0x70: {  	[tilespmem:s26], [sflag:$0x5] =	stream.indirect.gather [hbm4b:s4+s25], $0x40, s0, s25, $0xb8;
	[tilespmem:$0x13400] =	vst v63  }
0x71: {  	_ =	swait.ge [sflag:s29], $0x2000  }
0x72: {  	s31 =	rddreg [dreg:$0x5];
	[sflag:s29] =	ssyncset.done $0x0  }
0x73: {  	[sflag:s29] =	ssyncadd.s32 $0xFFFFE000;
	s2 =	sadd.s32 s28, s31  }
0x74: {  	[hbm4b:s2+s3] =	stream.linear.scatter [tilespmem:s1], [sflag:$0xA], $0x2000, $0x38;
	[tilespmem:$0x13400] =	vst v63  }
0x75: {  	_ =	swait.ge [sflag:s20], $0x2000  }
0x76: {  	[sflag:s20] =	ssyncset.done $0x0  }
0x77: {  	s0 =	simm.s32 $0x680;
	[sflag:s20] =	ssyncadd.s32 $0xFFFFE000  }
0x78: {  	[tilespmem:s8], [sflag:$0x6] =	stream.indirect.gather [hbm4b:s4+s25], $0x40, s0, s25, $0xb8;
	[tilespmem:$0x13400] =	vst v63  }
0x79: {  	_ =	swait.ge [sflag:s7], $0x2000  }
0x7a: {  	s29 =	rddreg [dreg:$0x4];
	[sflag:s7] =	ssyncset.done $0x0  }
0x7b: {  	[sflag:s7] =	ssyncadd.s32 $0xFFFFE000;
	s2 =	sadd.s32 s28, s29  }
0x7c: {  	[hbm4b:s2+s3] =	stream.linear.scatter [tilespmem:s24], [sflag:$0xB], $0x2000, $0x38;
	[tilespmem:$0x13400] =	vst v63  }
0x7d: {  	_ =	swait.ge [sflag:s21], $0x2000  }
0x7e: {  	[sflag:s21] =	ssyncset.done $0x0  }
0x7f: {  	s31 =	simm.s32 $0x700;
	[sflag:s21] =	ssyncadd.s32 $0xFFFFE000  }
0x80: {  	[tilespmem:s10], [sflag:$0x7] =	stream.indirect.gather [hbm4b:s4+s25], $0x40, s31, s25, $0xb8;
	[tilespmem:$0x13400] =	vst v63  }
0x81: {  	_ =	swait.ge [sflag:s9], $0x2000  }
0x82: {  	s0 =	rddreg [dreg:$0x3];
	[sflag:s9] =	ssyncset.done $0x0  }
0x83: {  	[sflag:s9] =	ssyncadd.s32 $0xFFFFE000;
	s2 =	sadd.s32 s28, s0  }
0x84: {  	[hbm4b:s2+s3] =	stream.linear.scatter [tilespmem:s5], [sflag:$0xC], $0x2000, $0x38;
	[tilespmem:$0x13400] =	vst v63  }
0x85: {  	_ =	swait.ge [sflag:s22], $0x2000  }
0x86: {  	[sflag:s22] =	ssyncset.done $0x0  }
0x87: {  	s29 =	simm.s32 $0x780;
	[sflag:s22] =	ssyncadd.s32 $0xFFFFE000  }
0x88: {  	[tilespmem:s30], [sflag:$0x8] =	stream.indirect.gather [hbm4b:s4+s25], $0x40, s29, s25, $0xb8;
	[tilespmem:$0x13400] =	vst v63  }
0x89: {  	_ =	swait.ge [sflag:s11], $0x2000  }
0x8a: {  	s31 =	rddreg [dreg:$0x9];
	[sflag:s11] =	ssyncset.done $0x0  }
0x8b: {  	[sflag:s11] =	ssyncadd.s32 $0xFFFFE000;
	s2 =	sadd.s32 s28, s31  }
0x8c: {  	[hbm4b:s2+s3] =	stream.linear.scatter [tilespmem:s26], [sflag:$0xD], $0x2000, $0x38;
	[tilespmem:$0x13400] =	vst v63  }
0x8d: {  	_ =	swait.ge [sflag:s12], $0x2000  }
0x8e: {  	[sflag:s12] =	ssyncset.done $0x0  }
0x8f: {  	s0 =	simm.s32 $0x800;
	[sflag:s12] =	ssyncadd.s32 $0xFFFFE000  }
0x90: {  	[tilespmem:s23], [sflag:$0x1] =	stream.indirect.gather [hbm4b:s4+s25], $0x40, s0, s25, $0xb8;
	[tilespmem:$0x13400] =	vst v63  }
0x91: {  	_ =	swait.ge [sflag:s13], $0x2000  }
0x92: {  	s5 =	rddreg [dreg:$0x8];
	[sflag:s13] =	ssyncset.done $0x0  }
0x93: {  	[sflag:s13] =	ssyncadd.s32 $0xFFFFE000;
	s2 =	sadd.s32 s28, s5  }
0x94: {  	[hbm4b:s2+s3] =	stream.linear.scatter [tilespmem:s8], [sflag:$0xE], $0x2000, $0x38;
	[tilespmem:$0x13400] =	vst v63  }
0x95: {  	_ =	swait.ge [sflag:s14], $0x2000  }
0x96: {  	[sflag:s14] =	ssyncset.done $0x0  }
0x97: {  	s23 =	simm.s32 $0x880;
	[sflag:s14] =	ssyncadd.s32 $0xFFFFE000  }
0x98: {  	[tilespmem:s1], [sflag:$0x2] =	stream.indirect.gather [hbm4b:s4+s25], $0x40, s23, s25, $0xb8;
	[tilespmem:$0x13400] =	vst v63  }
0x99: {  	_ =	swait.ge [sflag:s15], $0x2000  }
0x9a: {  	s26 =	rddreg [dreg:$0x7];
	[sflag:s15] =	ssyncset.done $0x0  }
0x9b: {  	[sflag:s15] =	ssyncadd.s32 $0xFFFFE000;
	s2 =	sadd.s32 s28, s26  }
0x9c: {  	[hbm4b:s2+s3] =	stream.linear.scatter [tilespmem:s10], [sflag:$0xF], $0x2000, $0x38;
	[tilespmem:$0x13400] =	vst v63  }
0x9d: {  	_ =	swait.ge [sflag:s16], $0x2000  }
0x9e: {  	[sflag:s16] =	ssyncset.done $0x0  }
0x9f: {  	s29 =	simm.s32 $0x900;
	[sflag:s16] =	ssyncadd.s32 $0xFFFFE000  }
0xa0: {  	[tilespmem:s24], [sflag:$0x3] =	stream.indirect.gather [hbm4b:s4+s25], $0x40, s29, s25, $0xb8;
	[tilespmem:$0x13400] =	vst v63  }
0xa1: {  	_ =	swait.ge [sflag:s17], $0x2000  }
0xa2: {  	s31 =	rddreg [dreg:$0x6];
	[sflag:s17] =	ssyncset.done $0x0  }
0xa3: {  	[sflag:s17] =	ssyncadd.s32 $0xFFFFE000;
	s2 =	sadd.s32 s28, s31  }
0xa4: {  	[hbm4b:s2+s3] =	stream.linear.scatter [tilespmem:s30], [sflag:$0x10], $0x2000, $0x38;
	[tilespmem:$0x13400] =	vst v63  }
0xa5: {  	_ =	swait.ge [sflag:s18], $0x2000  }
0xa6: {  	s6 =	sadd.s32 $0x10000, s6;
	s23 =	sadd.s32 $0x2000, s28;
	[sflag:s18] =	ssyncset.done $0x0  }
0xa7: {  	s24 =	simm.s32 $0x1000;
	s2 =	simm.s32 $0x980;
	[sflag:s18] =	ssyncadd.s32 $0xFFFFE000  }
.LBB2_2:
0xa8: {  	s1 =	simm.s32 $0x9400;
	s0 =	simm.s32 $0x1  }
0xa9: {  	[tilespmem:s1], [sflag:$0x4] =	stream.indirect.gather [hbm4b:s4+s25], $0x40, s2, s25, $0xb8;
	[tilespmem:$0x13400] =	vst v63  }
0xaa: {  	_ =	swait.ge [sflag:s0], $0x2000  }
0xab: {  	s26 =	sshrl.u32 s6, $0x3;
	[sflag:s0] =	ssyncset.done $0x0  }
0xac: {  	s30 =	simm.s32 $0x3400;
	s26 =	sadd.s32 s28, s26;
	[sflag:s0] =	ssyncadd.s32 $0xFFFFE000  }
0xad: {  	[hbm4b:s26+s3] =	stream.linear.scatter [tilespmem:s30], [sflag:$0x9], $0x2000, $0x38;
	[tilespmem:$0x13400] =	vst v63  }
0xae: {  	s8 =	smov.u32 s24;
	_ =	swait.ge [sflag:s19], $0x2000  }
0xaf: {  	s2 =	sshra.s32 s8, $0x2;
	s8 =	simm.s32 $0xB400;
	[sflag:s19] =	ssyncset.done $0x0  }
0xb0: {  	s10 =	sadd.s32 $0x600, s2;
	s26 =	simm.s32 $0x2;
	[sflag:s19] =	ssyncadd.s32 $0xFFFFE000  }
0xb1: {  	[tilespmem:s8], [sflag:$0x5] =	stream.indirect.gather [hbm4b:s4+s25], $0x40, s10, s25, $0xb8;
	[tilespmem:$0x13400] =	vst v63  }
0xb2: {  	_ =	swait.ge [sflag:s26], $0x2000  }
0xb3: {  	s29 =	rddreg [dreg:$0x5];
	[sflag:s26] =	ssyncset.done $0x0  }
0xb4: {  	s31 =	simm.s32 $0x5400;
	[sflag:s26] =	ssyncadd.s32 $0xFFFFE000;
	s26 =	sadd.s32 s23, s29  }
0xb5: {  	[hbm4b:s26+s3] =	stream.linear.scatter [tilespmem:s31], [sflag:$0xA], $0x2000, $0x38;
	[tilespmem:$0x13400] =	vst v63  }
0xb6: {  	_ =	swait.ge [sflag:s20], $0x2000  }
0xb7: {  	[sflag:s20] =	ssyncset.done $0x0  }
0xb8: {  	s0 =	sadd.s32 $0x680, s2;
	s10 =	simm.s32 $0xD400;
	[sflag:s20] =	ssyncadd.s32 $0xFFFFE000  }
0xb9: {  	[tilespmem:s10], [sflag:$0x6] =	stream.indirect.gather [hbm4b:s4+s25], $0x40, s0, s25, $0xb8;
	[tilespmem:$0x13400] =	vst v63  }
0xba: {  	_ =	swait.ge [sflag:s7], $0x2000  }
0xbb: {  	s5 =	rddreg [dreg:$0x4];
	[sflag:s7] =	ssyncset.done $0x0  }
0xbc: {  	[sflag:s7] =	ssyncadd.s32 $0xFFFFE000;
	s26 =	sadd.s32 s23, s5;
	s5 =	simm.s32 $0x7400  }
0xbd: {  	[hbm4b:s26+s3] =	stream.linear.scatter [tilespmem:s5], [sflag:$0xB], $0x2000, $0x38;
	[tilespmem:$0x13400] =	vst v63  }
0xbe: {  	_ =	swait.ge [sflag:s21], $0x2000  }
0xbf: {  	[sflag:s21] =	ssyncset.done $0x0  }
0xc0: {  	s29 =	sadd.s32 $0x700, s2;
	s0 =	simm.s32 $0xF400;
	[sflag:s21] =	ssyncadd.s32 $0xFFFFE000  }
0xc1: {  	[tilespmem:s0], [sflag:$0x7] =	stream.indirect.gather [hbm4b:s4+s25], $0x40, s29, s25, $0xb8;
	[tilespmem:$0x13400] =	vst v63  }
0xc2: {  	_ =	swait.ge [sflag:s9], $0x2000  }
0xc3: {  	s29 =	rddreg [dreg:$0x3];
	[sflag:s9] =	ssyncset.done $0x0  }
0xc4: {  	[sflag:s9] =	ssyncadd.s32 $0xFFFFE000;
	s26 =	sadd.s32 s23, s29  }
0xc5: {  	[hbm4b:s26+s3] =	stream.linear.scatter [tilespmem:s1], [sflag:$0xC], $0x2000, $0x38;
	[tilespmem:$0x13400] =	vst v63  }
0xc6: {  	_ =	swait.ge [sflag:s22], $0x2000  }
0xc7: {  	[sflag:s22] =	ssyncset.done $0x0  }
0xc8: {  	s29 =	simm.s32 $0x11400;
	s1 =	sadd.s32 $0x780, s2;
	[sflag:s22] =	ssyncadd.s32 $0xFFFFE000  }
0xc9: {  	[tilespmem:s29], [sflag:$0x8] =	stream.indirect.gather [hbm4b:s4+s25], $0x40, s1, s25, $0xb8;
	[tilespmem:$0x13400] =	vst v63  }
0xca: {  	_ =	swait.ge [sflag:s11], $0x2000  }
0xcb: {  	s1 =	rddreg [dreg:$0x9];
	[sflag:s11] =	ssyncset.done $0x0  }
0xcc: {  	[sflag:s11] =	ssyncadd.s32 $0xFFFFE000;
	s26 =	sadd.s32 s23, s1  }
0xcd: {  	[hbm4b:s26+s3] =	stream.linear.scatter [tilespmem:s8], [sflag:$0xD], $0x2000, $0x38;
	[tilespmem:$0x13400] =	vst v63  }
0xce: {  	_ =	swait.ge [sflag:s12], $0x2000  }
0xcf: {  	[sflag:s12] =	ssyncset.done $0x0  }
0xd0: {  	s8 =	sadd.s32 $0x800, s2;
	[sflag:s12] =	ssyncadd.s32 $0xFFFFE000  }
0xd1: {  	[tilespmem:s30], [sflag:$0x1] =	stream.indirect.gather [hbm4b:s4+s25], $0x40, s8, s25, $0xb8;
	[tilespmem:$0x13400] =	vst v63  }
0xd2: {  	_ =	swait.ge [sflag:s13], $0x2000  }
0xd3: {  	s8 =	rddreg [dreg:$0x8];
	[sflag:s13] =	ssyncset.done $0x0  }
0xd4: {  	[sflag:s13] =	ssyncadd.s32 $0xFFFFE000;
	s26 =	sadd.s32 s23, s8  }
0xd5: {  	[hbm4b:s26+s3] =	stream.linear.scatter [tilespmem:s10], [sflag:$0xE], $0x2000, $0x38;
	[tilespmem:$0x13400] =	vst v63  }
0xd6: {  	_ =	swait.ge [sflag:s14], $0x2000  }
0xd7: {  	[sflag:s14] =	ssyncset.done $0x0  }
0xd8: {  	s8 =	sadd.s32 $0x880, s2;
	[sflag:s14] =	ssyncadd.s32 $0xFFFFE000  }
0xd9: {  	[tilespmem:s31], [sflag:$0x2] =	stream.indirect.gather [hbm4b:s4+s25], $0x40, s8, s25, $0xb8;
	[tilespmem:$0x13400] =	vst v63  }
0xda: {  	_ =	swait.ge [sflag:s15], $0x2000  }
0xdb: {  	s10 =	rddreg [dreg:$0x7];
	[sflag:s15] =	ssyncset.done $0x0  }
0xdc: {  	[sflag:s15] =	ssyncadd.s32 $0xFFFFE000;
	s26 =	sadd.s32 s23, s10  }
0xdd: {  	[hbm4b:s26+s3] =	stream.linear.scatter [tilespmem:s0], [sflag:$0xF], $0x2000, $0x38;
	[tilespmem:$0x13400] =	vst v63  }
0xde: {  	_ =	swait.ge [sflag:s16], $0x2000  }
0xdf: {  	[sflag:s16] =	ssyncset.done $0x0  }
0xe0: {  	s8 =	sadd.s32 $0x900, s2;
	[sflag:s16] =	ssyncadd.s32 $0xFFFFE000  }
0xe1: {  	[tilespmem:s5], [sflag:$0x3] =	stream.indirect.gather [hbm4b:s4+s25], $0x40, s8, s25, $0xb8;
	[tilespmem:$0x13400] =	vst v63  }
0xe2: {  	p0 =	sne.s32 s24, $0xA000;
	_ =	swait.ge [sflag:s17], $0x2000  }
0xe3: {  	s24 =	sadd.s32 $0x1000, s24;
	s10 =	rddreg [dreg:$0x6];
	[sflag:s17] =	ssyncset.done $0x0  }
.Ltmp0:
0xe4: {  	[sflag:s17] =	ssyncadd.s32 $0xFFFFE000;
	s26 =	sadd.s32 s23, s10;
	(pc) =	sbr.rel @p0 .LBB2_2-.Ltmp0, $4  }
0xe5: {  	[hbm4b:s26+s3] =	stream.linear.scatter [tilespmem:s29], [sflag:$0x10], $0x2000, $0x38;
	[tilespmem:$0x13400] =	vst v63  }
0xe6: {  	s6 =	sadd.s32 $0x10000, s6;
	s1 =	simm.s32 $0x3400;
	_ =	swait.ge [sflag:s18], $0x2000  }
0xe7: {  	s30 =	simm.s32 $0x5400;
	s31 =	simm.s32 $0x7400;
	[sflag:s18] =	ssyncset.done $0x0  }
0xe8: {  	s2 =	sadd.s32 $0x980, s2;
	s23 =	sadd.s32 $0x2000, s23;
	[sflag:s18] =	ssyncadd.s32 $0xFFFFE000  }
0xe9: {  	s5 =	simm.s32 $0x9400;
	s0 =	simm.s32 $0x1  }
0xea: {  	[tilespmem:s5], [sflag:$0x4] =	stream.indirect.gather [hbm4b:s4+s25], $0x40, s2, s25, $0xb8;
	[tilespmem:$0x13400] =	vst v63  }
0xeb: {  	_ =	swait.ge [sflag:s0], $0x2000  }
0xec: {  	[sflag:s0] =	ssyncset.done $0x0  }
0xed: {  	s6 =	rddreg [dreg:$0x13];
	[sflag:s0] =	ssyncadd.s32 $0xFFFFE000  }
0xee: {  	[hbm4b:s6+s3] =	stream.linear.scatter [tilespmem:s1], [sflag:$0x9], $0x2000, $0x38;
	[tilespmem:$0x13400] =	vst v63  }
0xef: {  	_ =	swait.ge [sflag:s19], $0x2000  }
0xf0: {  	s8 =	simm.s32 $0x3200;
	[sflag:s19] =	ssyncset.done $0x0  }
0xf1: {  	s10 =	simm.s32 $0x2;
	s1 =	simm.s32 $0xB400;
	[sflag:s19] =	ssyncadd.s32 $0xFFFFE000  }
0xf2: {  	[tilespmem:s1], [sflag:$0x5] =	stream.indirect.gather [hbm4b:s4+s25], $0x40, s8, s25, $0xb8;
	[tilespmem:$0x13400] =	vst v63  }
0xf3: {  	_ =	swait.ge [sflag:s10], $0x2000  }
0xf4: {  	[sflag:s10] =	ssyncset.done $0x0  }
0xf5: {  	s23 =	rddreg [dreg:$0x14];
	[sflag:s10] =	ssyncadd.s32 $0xFFFFE000  }
0xf6: {  	[hbm4b:s23+s3] =	stream.linear.scatter [tilespmem:s30], [sflag:$0xA], $0x2000, $0x38;
	[tilespmem:$0x13400] =	vst v63  }
0xf7: {  	_ =	swait.ge [sflag:s20], $0x2000  }
0xf8: {  	[sflag:s20] =	ssyncset.done $0x0  }
0xf9: {  	s24 =	simm.s32 $0x3280;
	s6 =	simm.s32 $0xD400;
	[sflag:s20] =	ssyncadd.s32 $0xFFFFE000  }
0xfa: {  	[tilespmem:s6], [sflag:$0x6] =	stream.indirect.gather [hbm4b:s4+s25], $0x40, s24, s25, $0xb8;
	[tilespmem:$0x13400] =	vst v63  }
0xfb: {  	_ =	swait.ge [sflag:s7], $0x2000  }
0xfc: {  	[sflag:s7] =	ssyncset.done $0x0  }
0xfd: {  	s26 =	rddreg [dreg:$0x15];
	[sflag:s7] =	ssyncadd.s32 $0xFFFFE000  }
0xfe: {  	[hbm4b:s26+s3] =	stream.linear.scatter [tilespmem:s31], [sflag:$0xB], $0x2000, $0x38;
	[tilespmem:$0x13400] =	vst v63  }
0xff: {  	_ =	swait.ge [sflag:s21], $0x2000  }
0x100: {  	[sflag:s21] =	ssyncset.done $0x0  }
0x101: {  	s29 =	simm.s32 $0xF400;
	s30 =	simm.s32 $0x3300;
	[sflag:s21] =	ssyncadd.s32 $0xFFFFE000  }
0x102: {  	[tilespmem:s29], [sflag:$0x7] =	stream.indirect.gather [hbm4b:s4+s25], $0x40, s30, s25, $0xb8;
	[tilespmem:$0x13400] =	vst v63  }
0x103: {  	_ =	swait.ge [sflag:s9], $0x2000  }
0x104: {  	[sflag:s9] =	ssyncset.done $0x0  }
0x105: {  	s31 =	rddreg [dreg:$0x16];
	[sflag:s9] =	ssyncadd.s32 $0xFFFFE000  }
0x106: {  	[hbm4b:s31+s3] =	stream.linear.scatter [tilespmem:s5], [sflag:$0xC], $0x2000, $0x38;
	[tilespmem:$0x13400] =	vst v63  }
0x107: {  	_ =	swait.ge [sflag:s22], $0x2000  }
0x108: {  	[sflag:s22] =	ssyncset.done $0x0  }
0x109: {  	s8 =	simm.s32 $0x11400;
	s10 =	simm.s32 $0x3380;
	[sflag:s22] =	ssyncadd.s32 $0xFFFFE000  }
0x10a: {  	[tilespmem:s8], [sflag:$0x8] =	stream.indirect.gather [hbm4b:s4+s25], $0x40, s10, s25, $0xb8;
	[tilespmem:$0x13400] =	vst v63  }
0x10b: {  	_ =	swait.ge [sflag:s11], $0x2000  }
0x10c: {  	[sflag:s11] =	ssyncset.done $0x0  }
0x10d: {  	s23 =	rddreg [dreg:$0x17];
	[sflag:s11] =	ssyncadd.s32 $0xFFFFE000  }
0x10e: {  	[hbm4b:s23+s3] =	stream.linear.scatter [tilespmem:s1], [sflag:$0xD], $0x2000, $0x38;
	[tilespmem:$0x13400] =	vst v63  }
0x10f: {  	_ =	swait.ge [sflag:s13], $0x2000  }
0x110: {  	[sflag:s13] =	ssyncset.done $0x0  }
0x111: {  	s24 =	rddreg [dreg:$0x18];
	[sflag:s13] =	ssyncadd.s32 $0xFFFFE000  }
0x112: {  	[hbm4b:s24+s3] =	stream.linear.scatter [tilespmem:s6], [sflag:$0xE], $0x2000, $0x38;
	[tilespmem:$0x13400] =	vst v63  }
0x113: {  	_ =	swait.ge [sflag:s15], $0x2000  }
0x114: {  	[sflag:s15] =	ssyncset.done $0x0  }
0x115: {  	s26 =	rddreg [dreg:$0x19];
	[sflag:s15] =	ssyncadd.s32 $0xFFFFE000  }
0x116: {  	[hbm4b:s26+s3] =	stream.linear.scatter [tilespmem:s29], [sflag:$0xF], $0x2000, $0x38;
	[tilespmem:$0x13400] =	vst v63  }
0x117: {  	_ =	swait.ge [sflag:s17], $0x2000  }
0x118: {  	[sflag:s17] =	ssyncset.done $0x0  }
0x119: {  	s29 =	rddreg [dreg:$0x1a];
	[sflag:s17] =	ssyncadd.s32 $0xFFFFE000  }
0x11a: {  	[hbm4b:s29+s3] =	stream.linear.scatter [tilespmem:s8], [sflag:$0x10], $0x2000, $0x38;
	[tilespmem:$0x13400] =	vst v63  }
0x11b: {  	_ =	swait.ge [sflag:s12], $0x2000  }
0x11c: {  	[sflag:s12] =	ssyncset.done $0x0  }
0x11d: {  	[sflag:s12] =	ssyncadd.s32 $0xFFFFE000  }
0x11e: {  	_ =	swait.ge [sflag:s14], $0x2000  }
0x11f: {  	[sflag:s14] =	ssyncset.done $0x0  }
0x120: {  	[sflag:s14] =	ssyncadd.s32 $0xFFFFE000  }
0x121: {  	_ =	swait.ge [sflag:s16], $0x2000  }
0x122: {  	[sflag:s16] =	ssyncset.done $0x0  }
0x123: {  	[sflag:s16] =	ssyncadd.s32 $0xFFFFE000  }
0x124: {  	_ =	swait.ge [sflag:s18], $0x2000  }
0x125: {  	[sflag:s18] =	ssyncset.done $0x0  }
0x126: {  	[sflag:s18] =	ssyncadd.s32 $0xFFFFE000  }
0x127: {  	_ =	swait.ge [sflag:s19], $0x2000  }
0x128: {  	[sflag:s19] =	ssyncset.done $0x0  }
0x129: {  	[sflag:s19] =	ssyncadd.s32 $0xFFFFE000  }
0x12a: {  	_ =	swait.ge [sflag:s20], $0x2000  }
0x12b: {  	[sflag:s20] =	ssyncset.done $0x0  }
0x12c: {  	[sflag:s20] =	ssyncadd.s32 $0xFFFFE000  }
0x12d: {  	_ =	swait.ge [sflag:s21], $0x2000  }
0x12e: {  	[sflag:s21] =	ssyncset.done $0x0  }
0x12f: {  	[sflag:s21] =	ssyncadd.s32 $0xFFFFE000  }
0x130: {  	_ =	swait.ge [sflag:s22], $0x2000  }
0x131: {  	s30 =	rddreg [dreg:$0x1d]  }
0x132: {  	s31 =	rddreg [dreg:$0x1b];
	s0 =	sadd.s32 $0x1, s30  }
0x133: {  	p0 =	sne.s32 s0, s31  }
.Ltmp1:
0x134: {  	_ = 	snop;
	(pc) =	sbr.rel @p0 .LBB2_1-.Ltmp1, $3  }
0x135: {  	_ =	sdelay $0x1  }
0x136: {  	[sflag:s22] =	ssyncset.done $0x0  }
0x137: {  	[sflag:s22] =	ssyncadd.s32 $0xFFFFE000  }
0x138: {  	_ =	sfence.sel $0x180000  }
0x139: {  	[bflag:$0x0] =	sbarrier.arrive $0xFFFF  }
0x13a: {  	_ =	strace $0x90000047  }
0x13b: {  	s0 =	stileid.u32;
	[bflag:$0x2] =	sbarrier.arrive $0xFFFF  }
0x13c: {  	p0 =	sne.s32 s0, $0x0;
	s0 =	rddreg [dreg:$0x2]  }
0x13d: {  	s0 =	sadd.s32 @!p0 $0x100000, s0  }
0x13e: {  	[sflag:s0] =	ssyncadd.tile.s32 @!p0 $0x1;
	_ =	shalt  }
.Lfunc_end2:
_tile_overlayer_lowered:
.L_overlay_start_2:
0x13f: {  	(tag) =	ssettag $0x2  }
0x140: {  	s0 =	rddreg [dreg:$0x0];
	s2 =	stileid.u32  }
0x141: {  	s1 =	rddreg [dreg:$0x1];
	p0 =	sne.s32 s2, $0x0  }
0x142: {  	s3 =	rddreg [dreg:$0x2];
	[bflag:$0x3] =	sbarrier.arrive $0xFFFF;
	s2 =	simm.s32 @!p0 $0x1C11  }
0x143: {  	[timem:s3], [sflag:s2] =	dma.local @!p0 [hbm:s0], s1  }
0x144: {  	s0 =	simm.s32 @!p0 $0x11  }
0x145: {  	_ =	swait.ge @!p0 [sflag:s0], s1  }
0x146: {  	s1 =	ssub.s32 @!p0 $0x0, s1;
	[sflag:s0] =	ssyncset.done @!p0 $0x0  }
0x147: {  	[sflag:s0] =	ssyncadd.s32 @!p0 s1  }
0x148: {  	[bflag:$0x3] =	sbarrier.arrive $0xFFFF  }
0x149: {  	_ =	shalt  }

// kernel: sparse-core-data-format-call.cloned.1.call-start
scs
called_computation_lowered:
.L_overlay_start_0:
0x0: {  	s2 =	sld [smem:$0x3FD9]  }
0x1: {  	s3 =	sld [smem:$0x3FFE];
	_ =	sdelay $0x1  }
0x2: {  	s1 =	srdreg.scid  }
0x3: {  	s0 =	sand.u32 $0x1, s1  }
0x4: {  	s18 =	sshll.u32 s0, $0xA;
	s2 =	sadd.s32 s3, s2  }
0x5: {  	s2 =	sadd.s32 s2, s18  }
0x6: {  	[smem:$0x3FC6] =	sst s2  }
0x7: {  	_ = 	snop  }
0x8: {  	s2 =	sld [smem:$0x3FD0];
	(tm) =	ssettm $0x1  }
0x9: {  	s19 =	sld [smem:$0x3FFB];
	_ =	sdelay $0x3  }
0xa: {  	_ =	strace s19  }
0xb: {  	s3 =	sld [smem:$0x3FFC];
	_ =	sdelay $0x3  }
0xc: {  	_ =	strace s3  }
0xd: {  	s3 =	sld [smem:$0x3FFD];
	_ =	sdelay $0x3  }
0xe: {  	_ =	strace s3  }
0xf: {  	_ =	strace $0x8FFFFFFF  }
0x10: {  	s20 =	sld [smem:$0x3FDB];
	_ =	sdelay $0x1  }
0x11: {  	s4 =	simm.s32 $_scs_section_size  }
0x12: {  	s5 =	simm.s32 $_size__tile_overlayer_lowered;
	s6 =	simm.s32 $_tile_overlayer_lowered  }
0x13: {  	s23 =	simm.s32 $0x1BFF;
	s22 =	sshll.u32 s6, $0x1;
	s3 =	sadd.s32 s4, s20  }
0x14: {  	s7 =	simm.s32 $0x0;
	s21 =	sshll.u32 s5, $0x1;
	s5 =	sadd.s32 s22, s3  }
0x15: {  	[timem:s7], [sflag:s23] =	dma.local [hbm:s5], s21  }
0x16: {  	_ =	swait.ge [sflag:s23], s21  }
0x17: {  	s4 =	ssub.s32 $0x0, s21;
	[sflag:s23] =	ssyncset.done $0x0  }
0x18: {  	[sflag:s23] =	ssyncadd.s32 s4;
	_ =	sdelay $0x1  }
0x19: {  	s24 =	simm.s32 $0x1B8B  }
0x1a: {  	_ =	swait.ge [sflag:s24], $0x1  }
0x1b: {  	[sflag:s24] =	ssyncset.done $0x0  }
0x1c: {  	s26 =	simm.s32 $0x1B8E;
	s25 =	sld [smem:$0x3FFE];
	[sflag:s24] =	ssyncadd.s32 $0xFFFFFFFF  }
0x1d: {  	s27 =	simm.s32 $execute0_lowered;
	[smem:$0x3FD2] =	sst s26  }
0x1e: {  	s5 =	sshll.u32 s27, $0x1;
	_ =	strace $0x80000049;
	[dreg:$0x1] =	wrdreg $0xFFFFFFFF  }
0x1f: {  	s28 =	simm.s32 $_size_execute0_lowered;
	s3 =	sadd.s32 s3, s5;
	[dreg:$0x0] =	wrdreg $0x0  }
0x20: {  	s5 =	sshll.u32 s28, $0x1;
	[dreg:$0x2] =	wrdreg s3  }
0x21: {  	[dreg:$0x3] =	wrdreg s5  }
0x22: {  	[dreg:$0x4] =	wrdreg $0xC0  }
0x23: {  	_ =	task [dreg:s7], $0x5FFFF  }
0x24: {  	[dreg:$0x1] =	wrdreg $0xFFFFFFFF  }
0x25: {  	[dreg:$0x0] =	wrdreg $0x60  }
0x26: {  	[dreg:$0x2] =	wrdreg s25  }
0x27: {  	[dreg:$0x3] =	wrdreg s2  }
0x28: {  	[dreg:$0x4] =	wrdreg $0x9  }
0x29: {  	_ =	task.clear_ibuf [dreg:s7], $0x5FFFF;
	_ =	strace $0x90000049  }
0x2a: {  	s29 =	simm.s32 $0x9;
	_ =	strace $0x8000004B  }
0x2b: {  	_ =	swait.ge [sflag:s29], $0x1  }
0x2c: {  	[sflag:s29] =	ssyncadd.s32 $0xFFFFFFFF  }
0x2d: {  	_ =	strace $0x9000004B  }
0x2e: {  	_ =	sfence  }
0x2f: {  	s30 =	sld [smem:$0x0];
	_ =	sdelay $0x2  }
0x30: {  	s31 =	sshll.u32 s1, $0xD;
	s1 =	sshrl.u32 s1, $0x2  }
0x31: {  	s3 =	sand.u32 $0x4000, s31;
	s1 =	sadd.s32 s1, s30  }
0x32: {  	s0 =	sor.u32 s3, s0;
	s1 =	sshll.u32 s1, $0x11  }
0x33: {  	s0 =	sor.u32 s1, s0  }
0x34: {  	s0 =	sadd.s32 $0x8F2B, s0  }
0x35: {  	[sflag:s0] =	ssyncadd.remote.s32 $0x1  }
0x36: {  	_ =	sfence.sel $0xFFFF  }
0x37: {  	[dreg:$0x0] =	wrdreg $0xFFFFFFFF;
	(pc) =	sbr.abs _section_cstart, $3  }
0x38: {  	[dreg:$0x1] =	wrdreg $0xFFFFFFFF  }
0x39: {  	_ =	task.clear_ibuf [dreg:s7], $0x2FFFF;
	_ =	strace $0x9FFFFFFF  }
0x3a: {  	(tm) =	ssettm $0x7FFFFFFF  }
0x3b: {  	_ =	shalt  }
tec
execute0_lowered:
.L_overlay_start_1:
0x0: {  	(tag) =	ssettag $0x1  }
0x1: {  	s0 =	srdreg.scid  }
0x2: {  	s1 =	sshll.u32 s0, $0x4  }
0x3: {  	s0 =	stileid.u32;
	s1 =	sand.u32 $0x10, s1  }
0x4: {  	s1 =	sor.u32 s0, s1  }
0x5: {  	s6 =	rddreg [dreg:$0x0];
	s4 =	simm.s32 $0x1;
	s2 =	sshll.u32 s1, $0x7  }
0x6: {  	s7 =	simm.s32 $0x2;
	s12 =	simm.s32 $0x0;
	s1 =	ssub.s32 $0x4000, s2  }
0x7: {  	s8 =	simm.s32 $0x20000;
	s13 =	simm.s32 $0x0;
	s3 =	sand.u32 $0xF80, s1  }
0x8: {  	s9 =	simm.s32 $0x0;
	s5 =	sshrl.u32 s1, $0xC;
	p0 =	sne.s32 s3, $0x0  }
.Ltmp0:
0x9: {  	s1 =	rddreg [dreg:$0x2];
	s4 =	simm.s32 @!p0 $0x0;
	(pc) =	sbr.rel .LBB1_1-.Ltmp0, $4  }
0xa: {  	s11 =	simm.s32 $0x0;
	s3 =	rddreg [dreg:$0x1];
	s5 =	sadd.s32 s4, s5  }
0xb: {  	_ =	strace $0x8000004A;
	s4 =	simm.s32 $0x1;
	s5 =	smul.u32 $0x1A, s5  }
0xc: {  	s6 =	sadd.s32 $0xA00, s6;
	s10 =	smov.u32 s2;
	[sflag:s4] =	ssyncpa.u1 $0x0  }
0xd: {  	p0 =	por $0x0, $0x0;
	[sflag:s7] =	ssyncpa.u1 $0x0;
	s7 =	sor.u32 $0x1, s5  }
.LBB1_4:
0xe: {  	s16 =	sshll.u32 s13, $0x3;
	s17 =	sand.u32 $0x78, s13  }
0xf: {  	s30 =	sand.u32 $0x1F800, s13;
	s12 =	sshll.u32 s12, $0x11;
	s16 =	sand.u32 $0x3C00, s16  }
0x10: {  	[tilespmem:s15+$0x810 ss:$0x81] =	vst.msk $0xffff, v2;
	s31 =	sand.u32 $0x7, s13;
	s16 =	sor.u32 s17, s16;
	s17 =	sadd.s32 s3, s30  }
0x11: {  	[tilespmem:s15+$0x1020 ss:$0x81] =	vst.msk $0xffff, v0;
	s13 =	sshll.u32 s31, $0x12;
	s12 =	sadd.s32 s12, s17;
	s16 =	sshrl.u32 s16, $0x3  }
0x12: {  	[tilespmem:s15+$0x0 ss:$0x81] =	vst.msk $0xffff, v1;
	s13 =	sor.u32 $0x400, s13;
	s12 =	sadd.s32 s16, s12  }
0x13: {  	[hbm4b:s12+s13] =	stream.strided.scatter [tilespmem:s14], [sflag:$0x2], $0x2000, s8, s13, $0x20;
	[tilespmem:$0x8080] =	vst v63  }
.LBB1_5:
0x14: {  	s14 =	sadd.s32 $0x1, s9  }
0x15: {  	s12 =	sadd.s32 $0x1000, s10;
	s16 =	smov.u32 s10;
	p2 =	sgt.s32 s14, $0x19  }
0x16: {  	s16 =	smov.u32 @p2 s12  }
0x17: {  	s14 =	simm.s32 @p2 $0x0;
	p2 =	sgt.s32 s16, $0x3FFF  }
0x18: {  	s16 =	smov.u32 @p2 s2;
	p2 =	sne.s32 s11, s7  }
.Ltmp1:
0x19: {  	p1 =	slt.u32 s11, $0x2;
	(pc) =	sbr.rel @!p2 .LBB1_6-.Ltmp1, $4  }
0x1a: {  	s15 =	simm.s32 @!p1 $0x2  }
0x1b: {  	s13 =	smov.u32 s10;
	p0 =	por !p0, !p0;
	_ =	swait.ge @!p1 [sflag:s15], $0x2000  }
0x1c: {  	s12 =	smov.u32 s9;
	[sflag:s15] =	ssyncset.done @!p1 $0x0;
	s9 =	smov.u32 s14  }
0x1d: {  	s11 =	sadd.s32 $0x1, s11;
	[sflag:s15] =	ssyncadd.s32 @!p1 $0xFFFFE000;
	s10 =	smov.u32 s16  }
.LBB1_1:
0x1e: {  	p1 =	sge.u32 s11, s5  }
0x1f: {  	s31 =	sadd.s32 $0xFFFFFFFF, s11;
	s14 =	sxor.u32 @!p1 $0xFFFFFFFF, s11  }
0x20: {  	s15 =	sshll.u32 @!p1 s10, $0x9;
	s16 =	sshll.u32 @!p1 s9, $0x4;
	s17 =	simm.s32 @!p1 $0x1000  }
0x21: {  	s14 =	sshll.u32 @!p1 s14, $0xD;
	s16 =	sand.u32 @!p1 $0x1F0, s16;
	s15 =	sadd.s32 @!p1 s6, s15  }
0x22: {  	s14 =	sand.u32 @!p1 $0x2000, s14;
	s15 =	sadd.s32 @!p1 s16, s15;
	s16 =	simm.s32 @!p1 $0x40  }
0x23: {  	[tilespmem:s14], [sflag:$0x1] =	stream.strided.gather @!p1 [hbm4b:s15+s16], $0x2000, s17, s16, $0x38;
	[tilespmem:$0x8080] =	vst v63  }
0x24: {  	p1 =	sge.u32 s31, s5  }
.Ltmp2:
0x25: {  	_ = 	snop;
	(pc) =	sbr.rel @p1 .LBB1_5-.Ltmp2, $1  }
0x26: {  	_ =	sdelay $0x3  }
0x27: {  	s14 =	simm.s32 $0x1  }
0x28: {  	_ =	swait.ge [sflag:s4], $0x2000;
	s14 =	simm.s32 @!p0 $0x0  }
0x29: {  	[sflag:s4] =	ssyncset.done $0x0;
	s15 =	sshll.u32 s14, $0xD  }
0x2a: {  	[sflag:s4] =	ssyncadd.s32 $0xFFFFE000;
	s18 =	sor.u32 $0x20, s15  }
0x2b: {  	s14 =	smul.u32 $0x8100, s14;
	v3 =	vld [tilespmem:s18+$0x10]  }
0x2c: {  	s30 =	sand.u32 $0x1, s11;
	v2 =	vld [tilespmem:s18+$0xFFFFFFF0]  }
0x2d: {  	s15 =	smul.u32 $0x8100, s30;
	s14 =	sshrl.u32 s14, $0x2;
	v0 =	vld [tilespmem:s18+$0x0]  }
0x2e: {  	v1 =	vld [tilespmem:s18+$0xFFFFFFE0];
	s16 =	sor.u32 $0x4000, s14  }
0x2f: {  	s31 =	sshrl.u32 s15, $0x2;
	s15 =	sadd.s32 $0x0, s16  }
0x30: {  	s17 =	simm.s32 $0x4;
	s18 =	sadd.s32 $0x40, s18;
	s14 =	sor.u32 $0x4000, s31;
	[tilespmem:s15+$0x1830 ss:$0x81] =	vst.msk $0xffff, v3  }
.LBB1_3:
0x31: {  	v3 =	vld [tilespmem:s18+$0x10];
	p1 =	sne.s32 s17, $0x1FC;
	[tilespmem:s15+$0x810 ss:$0x81] =	vst.msk $0xffff, v2;
	s19 =	smov.u32 s17;
	s17 =	sadd.s32 $0x4, s17  }
.Ltmp3:
0x32: {  	v2 =	vld [tilespmem:s18+$0xFFFFFFF0];
	[tilespmem:s15+$0x1020 ss:$0x81] =	vst.msk $0xffff, v0;
	(pc) =	sbr.rel @p1 .LBB1_3-.Ltmp3, $4  }
0x33: {  	v0 =	vld [tilespmem:s18+$0x0];
	[tilespmem:s15+$0x0 ss:$0x81] =	vst.msk $0xffff, v1  }
0x34: {  	s15 =	sshra.s32 s19, $0x2;
	v1 =	vld [tilespmem:s18+$0xFFFFFFE0]  }
0x35: {  	s15 =	sadd.s32 s15, s16  }
0x36: {  	s18 =	sadd.s32 $0x40, s18;
	[tilespmem:s15+$0x1830 ss:$0x81] =	vst.msk $0xffff, v3  }
.Ltmp4:
0x37: {  	_ = 	snop;
	(pc) =	sbr.rel .LBB1_4-.Ltmp4, $1  }
0x38: {  	_ =	sdelay $0x3  }
.LBB1_6:
0x39: {  	_ =	sfence.sel $0x180000  }
0x3a: {  	s2 =	simm.s32 $0x1;
	[bflag:$0x0] =	sbarrier.arrive $0xFFFF  }
0x3b: {  	s31 =	simm.s32 $0x2;
	[sflag:s2] =	ssyncpa.u1 $0x1  }
0x3c: {  	[sflag:s31] =	ssyncpa.u1 $0x1  }
0x3d: {  	p0 =	sne.s32 s0, $0x0;
	_ =	strace $0x9000004A  }
0x3e: {  	s0 =	sadd.s32 @!p0 $0x100000, s1;
	[bflag:$0x2] =	sbarrier.arrive $0xFFFF  }
0x3f: {  	[sflag:s0] =	ssyncadd.tile.s32 @!p0 $0x1;
	_ =	shalt  }
.Lfunc_end1:
_tile_overlayer_lowered:
.L_overlay_start_2:
0x40: {  	(tag) =	ssettag $0x2  }
0x41: {  	s0 =	rddreg [dreg:$0x0];
	s2 =	stileid.u32  }
0x42: {  	s1 =	rddreg [dreg:$0x1];
	p0 =	sne.s32 s2, $0x0  }
0x43: {  	s3 =	rddreg [dreg:$0x2];
	[bflag:$0x3] =	sbarrier.arrive $0xFFFF;
	s2 =	simm.s32 @!p0 $0x1C01  }
0x44: {  	[timem:s3], [sflag:s2] =	dma.local @!p0 [hbm:s0], s1  }
0x45: {  	s0 =	simm.s32 @!p0 $0x1  }
0x46: {  	_ =	swait.ge @!p0 [sflag:s0], s1  }
0x47: {  	s1 =	ssub.s32 @!p0 $0x0, s1;
	[sflag:s0] =	ssyncset.done @!p0 $0x0  }
0x48: {  	[sflag:s0] =	ssyncadd.s32 @!p0 s1  }
0x49: {  	[bflag:$0x3] =	sbarrier.arrive $0xFFFF  }
0x4a: {  	_ =	shalt  }

</sc_bundles>
